<compile_context>
chip_gen: v7x
topology: tpu7x:2x2x1
jax: 0.10.2.dev20260603
libtpu: 0.0.44.dev20260713+nightly
codegen_flags: <defaults>
</compile_context>

<pallas_src>
import functools

import jax
import jax.numpy as jnp
from jax import lax
from jax.experimental import pallas as pl
from jax.experimental.pallas import tpu as pltpu
from jax.experimental.pallas import tpu_sc as plsc


BM = 1024
KC = 1024
BLK = 128


def _vq_body(nk, xt_ref, ct_ref, x2_ref, c2_ref, iotaf_ref, out_ref):
    xt = -2.0 * xt_ref[...]

    m = jnp.full((BM, BLK), jnp.inf, dtype=jnp.float32)
    f = jnp.zeros((BM, BLK), dtype=jnp.float32)
    x2 = x2_ref[...].T

    for j in range(nk):
        ctc = ct_ref[j * KC:(j + 1) * KC, :]
        g = lax.dot_general(xt, ctc, (((0,), (1,)), ((), ())),
                            preferred_element_type=jnp.float32)
        for b in range(KC // BLK):
            lo = j * KC + b * BLK
            c2 = c2_ref[:, lo:lo + BLK]
            iota_f = iotaf_ref[:, lo:lo + BLK]
            d2 = (x2 + c2) + g[:, b * BLK:(b + 1) * BLK]
            lt = d2 < m
            m = jnp.where(lt, d2, m)
            f = jnp.where(lt, iota_f, f)

    mv = jnp.min(m, axis=1, keepdims=True)
    big = float(nk * KC)
    li = jnp.min(jnp.where(m == mv, f, big), axis=1, keepdims=True)
    packed = jnp.concatenate([mv, li], axis=1)
    out_ref[...] = packed.T


def _make_sc_gather(k, d, b):
    info = plsc.get_sparse_core_info()
    nc, ns = info.num_cores, info.num_subcores
    nw = nc * ns
    b_per_w = b // nw
    mesh = plsc.VectorSubcoreMesh(core_axis_name="c", subcore_axis_name="s")

    half = b_per_w // 2

    @functools.partial(
        pl.kernel, mesh=mesh,
        compiler_params=pltpu.CompilerParams(use_tc_tiling_on_sc=False),
        out_type=jax.ShapeDtypeStruct((b, d), jnp.float32),
        scratch_types=[
            pltpu.VMEM((2, half), jnp.int32),
            pltpu.VMEM((2, half, d), jnp.float32),
            pltpu.SemaphoreType.DMA,
            pltpu.SemaphoreType.DMA,
            pltpu.SemaphoreType.DMA,
        ],
    )
    def gather_k(table_hbm, idx_hbm, out_hbm, idx_v, rows_v, g0s, g1s, w0s):
        wid = lax.axis_index("s") * nc + lax.axis_index("c")
        base = wid * b_per_w
        pltpu.sync_copy(idx_hbm.at[pl.ds(base, half)], idx_v.at[0])
        g0 = pltpu.async_copy(table_hbm.at[idx_v.at[0]], rows_v.at[0], g0s)
        pltpu.sync_copy(idx_hbm.at[pl.ds(base + half, half)], idx_v.at[1])
        g1 = pltpu.async_copy(table_hbm.at[idx_v.at[1]], rows_v.at[1], g1s)
        g0.wait()
        w0 = pltpu.async_copy(rows_v.at[0], out_hbm.at[pl.ds(base, half)], w0s)
        g1.wait()
        pltpu.sync_copy(rows_v.at[1], out_hbm.at[pl.ds(base + half, half)])
        w0.wait()

    return gather_k


def kernel(x, labels, centers):
    num_classes, cpc, d = centers.shape
    b = x.shape[0]
    k = num_classes * cpc
    allc = centers.reshape(k, d).astype(x.dtype)
    x2 = jnp.sum(x * x, axis=1, keepdims=True).T
    c2 = jnp.sum(allc * allc, axis=1)[None, :]
    iotaf = jnp.arange(k, dtype=jnp.float32)[None, :]
    nb = b // BM
    nk = k // KC

    out_shapes = jax.ShapeDtypeStruct((2, b), jnp.float32)
    grid_spec = pl.GridSpec(
        grid=(nb,),
        in_specs=[
            pl.BlockSpec((d, BM), lambda i: (0, i)),
            pl.BlockSpec((k, d), lambda i: (0, 0)),
            pl.BlockSpec((1, BM), lambda i: (0, i)),
            pl.BlockSpec((1, k), lambda i: (0, 0)),
            pl.BlockSpec((1, k), lambda i: (0, 0)),
        ],
        out_specs=pl.BlockSpec((2, BM), lambda i: (0, i)),
    )
    packed = pl.pallas_call(
        functools.partial(_vq_body, nk),
        grid_spec=grid_spec,
        out_shape=out_shapes,
    )(x.T, allc, x2, c2, iotaf)

    mind = jnp.sqrt(jnp.maximum(packed[0, :], 0.0))
    idx = packed[1, :].astype(jnp.int32)
    cls = idx // cpc
    clu = idx % cpc
    quant = _make_sc_gather(k, d, b)(allc, idx)

    return (quant, clu, mind, cls, centers, labels)

# --- scband reference (transcript-rebuilt; emitter-appended) ---
"""Pipeline reference for scband-quantization-layer-89507118449249 (READ-ONLY COPY).

The authoritative reference and input builder live on the scoring server;
editing this copy changes nothing except your own understanding.
"""

import jax, jax.numpy as jnp
import numpy as np

NUM_CLASSES = 1024
CLUSTERS_PER_CLASS = 8
LATENT_DIM = 32
BATCH = 16384


def setup_inputs(seed: int = 0) -> dict:
    key = jax.random.key(seed)
    k1, k2, k3 = jax.random.split(key, 3)
    x = jax.random.normal(k1, (BATCH, LATENT_DIM), dtype=jnp.float32)
    labels = jax.random.randint(k2, (BATCH,), 0, NUM_CLASSES, dtype=jnp.int64 if jax.config.read('jax_enable_x64') else jnp.int32)
    centers = jax.random.normal(k3, (NUM_CLASSES, CLUSTERS_PER_CLASS, LATENT_DIM), dtype=jnp.float32) * 0.1
    return {"x": x, "labels": labels, "centers": centers}


def reference(x, labels, centers):
    # Faithful translation of QuantizationLayer.forward in eval mode
    clusters_per_class = centers.shape[1]
    latent_dim = centers.shape[2]
    all_centers = centers.reshape(-1, latent_dim).astype(x.dtype)  # [K, d]
    # torch.cdist(x, all_centers, p=2) via the expansion identity
    x2 = jnp.sum(x * x, axis=1, keepdims=True)            # [B, 1]
    c2 = jnp.sum(all_centers * all_centers, axis=1)[None, :]  # [1, K]
    d2 = jnp.maximum(x2 + c2 - 2.0 * (x @ all_centers.T), 0.0)  # [B, K]
    distances = jnp.sqrt(d2)
    closest_indices = jnp.argmin(distances, axis=1)        # [B]
    class_predictions = closest_indices // clusters_per_class
    cluster_assignments = closest_indices % clusters_per_class
    quantized_hard = jnp.take(all_centers, closest_indices, axis=0)  # gather [B, d]
    min_distances = jnp.take_along_axis(distances, closest_indices[:, None], axis=1)[:, 0]
    # eval path: quantized = quantized_hard
    quantized = quantized_hard
    # info dict flattened into tuple of arrays
    return (quantized, cluster_assignments, min_distances, class_predictions, centers, labels)

if __name__ == "__main__":
    import jax
    _d = setup_inputs()
    print(jax.jit(kernel)(*tuple(_d.values())))

</pallas_src>

<mosaic_0001>
#map = affine_map<(d0, d1) -> (0, 0)>
#map1 = affine_map<(d0, d1) -> (0)>
module attributes {stable_mosaic.version = 14 : i64} {
  func.func @gather_k(%arg0: i32, %arg1: i32, %arg2: memref<8192x32xf32, #tpu.memory_space<hbm>>, %arg3: memref<16384xi32, #tpu.memory_space<hbm>>, %arg4: memref<16384x32xf32, #tpu.memory_space<hbm>>, %arg5: memref<2x256xi32, #tpu.memory_space<vmem>>, %arg6: memref<2x256x32xf32, #tpu.memory_space<vmem>>, %arg7: memref<!tpu.dma_semaphore, #tpu.memory_space<semaphore_mem>>, %arg8: memref<!tpu.dma_semaphore, #tpu.memory_space<semaphore_mem>>, %arg9: memref<!tpu.dma_semaphore, #tpu.memory_space<semaphore_mem>>) attributes {dimension_semantics = [#tpu.dimension_semantics<core_parallel>, #tpu.dimension_semantics<subcore_parallel>], iteration_bounds = array<i64: 2, 16>, scalar_prefetch = 0 : i64, scratch_operands = 5 : i64, tpu.core_type = #tpu.core_type<sc_vector_subcore>, window_params = [{transform_indices = #map}, {transform_indices = #map1}, {transform_indices = #map}]} {
    %mul3A = arith.constant 2 : i32
    %mul3A_0 = arith.muli %arg1, %mul3A : i32
    %add3A = arith.addi %mul3A_0, %arg0 : i32
    %mul3A_1 = arith.constant 512 : i32
    %mul3A_2 = arith.muli %add3A, %mul3A_1 : i32
    %run_scoped3A = arith.constant 0 : i32
    "tpu.region"() ({
      %run_scoped3A_81 = tpu.sem_alloc : memref<!tpu.dma_semaphore, #tpu.memory_space<semaphore_mem>>
      %dma_start3A_82 = arith.constant 0 : i32
      %dma_start3A_83 = tpu.memref_slice %arg5[%run_scoped3A, %dma_start3A_82] : memref<2x256xi32, #tpu.memory_space<vmem>> -> memref<1x256xi32, #tpu.memory_space<vmem>>
      %dma_start3A_84 = tpu.memref_squeeze %dma_start3A_83 : memref<1x256xi32, #tpu.memory_space<vmem>> -> memref<256xi32, #tpu.memory_space<vmem>>
      %dma_start3A_85 = tpu.memref_slice %arg3[%mul3A_2] : memref<16384xi32, #tpu.memory_space<hbm>> -> memref<256xi32, #tpu.memory_space<hbm>>
      %dma_start3A_86 = arith.constant 0 : i32
      %dma_start3A_87 = tpu.memref_slice %arg5[%run_scoped3A, %dma_start3A_86] : memref<2x256xi32, #tpu.memory_space<vmem>> -> memref<1x256xi32, #tpu.memory_space<vmem>>
      %dma_start3A_88 = tpu.memref_squeeze %dma_start3A_87 : memref<1x256xi32, #tpu.memory_space<vmem>> -> memref<256xi32, #tpu.memory_space<vmem>>
      %dma_start3A_89 = tpu.memref_slice %arg3[%mul3A_2] : memref<16384xi32, #tpu.memory_space<hbm>> -> memref<256xi32, #tpu.memory_space<hbm>>
      tpu.enqueue_dma source(%dma_start3A_89 : memref<256xi32, #tpu.memory_space<hbm>>) target(%dma_start3A_88 : memref<256xi32, #tpu.memory_space<vmem>>) target_semaphore(%run_scoped3A_81 : memref<!tpu.dma_semaphore, #tpu.memory_space<semaphore_mem>>)
      %dma_wait3A_90 = arith.constant 0 : i32
      %dma_wait3A_91 = tpu.memref_slice %arg5[%run_scoped3A, %dma_wait3A_90] : memref<2x256xi32, #tpu.memory_space<vmem>> -> memref<1x256xi32, #tpu.memory_space<vmem>>
      %dma_wait3A_92 = tpu.memref_squeeze %dma_wait3A_91 : memref<1x256xi32, #tpu.memory_space<vmem>> -> memref<256xi32, #tpu.memory_space<vmem>>
      %dma_wait3A_93 = tpu.memref_slice %arg3[%mul3A_2] : memref<16384xi32, #tpu.memory_space<hbm>> -> memref<256xi32, #tpu.memory_space<hbm>>
      %dma_wait3A_94 = arith.constant 0 : i32
      %dma_wait3A_95 = tpu.memref_slice %arg5[%run_scoped3A, %dma_wait3A_94] : memref<2x256xi32, #tpu.memory_space<vmem>> -> memref<1x256xi32, #tpu.memory_space<vmem>>
      %dma_wait3A_96 = tpu.memref_squeeze %dma_wait3A_95 : memref<1x256xi32, #tpu.memory_space<vmem>> -> memref<256xi32, #tpu.memory_space<vmem>>
      %dma_wait3A_97 = tpu.memref_slice %arg3[%mul3A_2] : memref<16384xi32, #tpu.memory_space<hbm>> -> memref<256xi32, #tpu.memory_space<hbm>>
      tpu.wait_dma2 semaphore(%run_scoped3A_81 : memref<!tpu.dma_semaphore, #tpu.memory_space<semaphore_mem>>) src(%dma_wait3A_97 : memref<256xi32, #tpu.memory_space<hbm>>) dst(%dma_wait3A_96 : memref<256xi32, #tpu.memory_space<vmem>>)
      tpu.yield
    }) : () -> ()
    %dma_start3A = arith.constant 0 : i32
    %dma_start3A_3 = arith.constant 0 : i32
    %dma_start3A_4 = arith.constant 0 : i32
    %dma_start3A_5 = arith.constant 0 : i32
    %dma_start3A_6 = tpu.memref_slice %arg6[%dma_start3A_3, %dma_start3A_4, %dma_start3A_5] : memref<2x256x32xf32, #tpu.memory_space<vmem>> -> memref<1x256x32xf32, #tpu.memory_space<vmem>>
    %dma_start3A_7 = tpu.memref_squeeze %dma_start3A_6 : memref<1x256x32xf32, #tpu.memory_space<vmem>> -> memref<256x32xf32, #tpu.memory_space<vmem>>
    %dma_start3A_8 = arith.constant 0 : i32
    %dma_start3A_9 = tpu.memref_slice %arg5[%dma_start3A, %dma_start3A_8] : memref<2x256xi32, #tpu.memory_space<vmem>> -> memref<1x256xi32, #tpu.memory_space<vmem>>
    %dma_start3A_10 = tpu.memref_squeeze %dma_start3A_9 : memref<1x256xi32, #tpu.memory_space<vmem>> -> memref<256xi32, #tpu.memory_space<vmem>>
    %dma_start3A_11 = arith.constant 0 : i32
    %dma_start3A_12 = arith.constant 0 : i32
    %dma_start3A_13 = tpu.memref_slice %arg2[%dma_start3A_11, %dma_start3A_12] : memref<8192x32xf32, #tpu.memory_space<hbm>> -> memref<8192x32xf32, #tpu.memory_space<hbm>>
    tpu.enqueue_indirect_dma source(%dma_start3A_13 : memref<8192x32xf32, #tpu.memory_space<hbm>>) target(%dma_start3A_7 : memref<256x32xf32, #tpu.memory_space<vmem>>) offsets(%dma_start3A_10 : memref<256xi32, #tpu.memory_space<vmem>>) semaphore(%arg7 : memref<!tpu.dma_semaphore, #tpu.memory_space<semaphore_mem>>)
    %add3A_14 = arith.constant 256 : i32
    %add3A_15 = arith.addi %mul3A_2, %add3A_14 : i32
    %run_scoped3A_16 = arith.constant 1 : i32
    "tpu.region"() ({
      %run_scoped3A_81 = tpu.sem_alloc : memref<!tpu.dma_semaphore, #tpu.memory_space<semaphore_mem>>
      %dma_start3A_82 = arith.constant 0 : i32
      %dma_start3A_83 = tpu.memref_slice %arg5[%run_scoped3A_16, %dma_start3A_82] : memref<2x256xi32, #tpu.memory_space<vmem>> -> memref<1x256xi32, #tpu.memory_space<vmem>>
      %dma_start3A_84 = tpu.memref_squeeze %dma_start3A_83 : memref<1x256xi32, #tpu.memory_space<vmem>> -> memref<256xi32, #tpu.memory_space<vmem>>
      %dma_start3A_85 = tpu.memref_slice %arg3[%add3A_15] : memref<16384xi32, #tpu.memory_space<hbm>> -> memref<256xi32, #tpu.memory_space<hbm>>
      %dma_start3A_86 = arith.constant 0 : i32
      %dma_start3A_87 = tpu.memref_slice %arg5[%run_scoped3A_16, %dma_start3A_86] : memref<2x256xi32, #tpu.memory_space<vmem>> -> memref<1x256xi32, #tpu.memory_space<vmem>>
      %dma_start3A_88 = tpu.memref_squeeze %dma_start3A_87 : memref<1x256xi32, #tpu.memory_space<vmem>> -> memref<256xi32, #tpu.memory_space<vmem>>
      %dma_start3A_89 = tpu.memref_slice %arg3[%add3A_15] : memref<16384xi32, #tpu.memory_space<hbm>> -> memref<256xi32, #tpu.memory_space<hbm>>
      tpu.enqueue_dma source(%dma_start3A_89 : memref<256xi32, #tpu.memory_space<hbm>>) target(%dma_start3A_88 : memref<256xi32, #tpu.memory_space<vmem>>) target_semaphore(%run_scoped3A_81 : memref<!tpu.dma_semaphore, #tpu.memory_space<semaphore_mem>>)
      %dma_wait3A_90 = arith.constant 0 : i32
      %dma_wait3A_91 = tpu.memref_slice %arg5[%run_scoped3A_16, %dma_wait3A_90] : memref<2x256xi32, #tpu.memory_space<vmem>> -> memref<1x256xi32, #tpu.memory_space<vmem>>
      %dma_wait3A_92 = tpu.memref_squeeze %dma_wait3A_91 : memref<1x256xi32, #tpu.memory_space<vmem>> -> memref<256xi32, #tpu.memory_space<vmem>>
      %dma_wait3A_93 = tpu.memref_slice %arg3[%add3A_15] : memref<16384xi32, #tpu.memory_space<hbm>> -> memref<256xi32, #tpu.memory_space<hbm>>
      %dma_wait3A_94 = arith.constant 0 : i32
      %dma_wait3A_95 = tpu.memref_slice %arg5[%run_scoped3A_16, %dma_wait3A_94] : memref<2x256xi32, #tpu.memory_space<vmem>> -> memref<1x256xi32, #tpu.memory_space<vmem>>
      %dma_wait3A_96 = tpu.memref_squeeze %dma_wait3A_95 : memref<1x256xi32, #tpu.memory_space<vmem>> -> memref<256xi32, #tpu.memory_space<vmem>>
      %dma_wait3A_97 = tpu.memref_slice %arg3[%add3A_15] : memref<16384xi32, #tpu.memory_space<hbm>> -> memref<256xi32, #tpu.memory_space<hbm>>
      tpu.wait_dma2 semaphore(%run_scoped3A_81 : memref<!tpu.dma_semaphore, #tpu.memory_space<semaphore_mem>>) src(%dma_wait3A_97 : memref<256xi32, #tpu.memory_space<hbm>>) dst(%dma_wait3A_96 : memref<256xi32, #tpu.memory_space<vmem>>)
      tpu.yield
    }) : () -> ()
    %dma_start3A_17 = arith.constant 1 : i32
    %dma_start3A_18 = arith.constant 1 : i32
    %dma_start3A_19 = arith.constant 0 : i32
    %dma_start3A_20 = arith.constant 0 : i32
    %dma_start3A_21 = tpu.memref_slice %arg6[%dma_start3A_18, %dma_start3A_19, %dma_start3A_20] : memref<2x256x32xf32, #tpu.memory_space<vmem>> -> memref<1x256x32xf32, #tpu.memory_space<vmem>>
    %dma_start3A_22 = tpu.memref_squeeze %dma_start3A_21 : memref<1x256x32xf32, #tpu.memory_space<vmem>> -> memref<256x32xf32, #tpu.memory_space<vmem>>
    %dma_start3A_23 = arith.constant 0 : i32
    %dma_start3A_24 = tpu.memref_slice %arg5[%dma_start3A_17, %dma_start3A_23] : memref<2x256xi32, #tpu.memory_space<vmem>> -> memref<1x256xi32, #tpu.memory_space<vmem>>
    %dma_start3A_25 = tpu.memref_squeeze %dma_start3A_24 : memref<1x256xi32, #tpu.memory_space<vmem>> -> memref<256xi32, #tpu.memory_space<vmem>>
    %dma_start3A_26 = arith.constant 0 : i32
    %dma_start3A_27 = arith.constant 0 : i32
    %dma_start3A_28 = tpu.memref_slice %arg2[%dma_start3A_26, %dma_start3A_27] : memref<8192x32xf32, #tpu.memory_space<hbm>> -> memref<8192x32xf32, #tpu.memory_space<hbm>>
    tpu.enqueue_indirect_dma source(%dma_start3A_28 : memref<8192x32xf32, #tpu.memory_space<hbm>>) target(%dma_start3A_22 : memref<256x32xf32, #tpu.memory_space<vmem>>) offsets(%dma_start3A_25 : memref<256xi32, #tpu.memory_space<vmem>>) semaphore(%arg8 : memref<!tpu.dma_semaphore, #tpu.memory_space<semaphore_mem>>)
    %dma_wait3A = arith.constant 0 : i32
    %dma_wait3A_29 = arith.constant 0 : i32
    %dma_wait3A_30 = arith.constant 0 : i32
    %dma_wait3A_31 = arith.constant 0 : i32
    %dma_wait3A_32 = tpu.memref_slice %arg6[%dma_wait3A_29, %dma_wait3A_30, %dma_wait3A_31] : memref<2x256x32xf32, #tpu.memory_space<vmem>> -> memref<1x256x32xf32, #tpu.memory_space<vmem>>
    %dma_wait3A_33 = tpu.memref_squeeze %dma_wait3A_32 : memref<1x256x32xf32, #tpu.memory_space<vmem>> -> memref<256x32xf32, #tpu.memory_space<vmem>>
    %dma_wait3A_34 = arith.constant 0 : i32
    %dma_wait3A_35 = tpu.memref_slice %arg5[%dma_wait3A, %dma_wait3A_34] : memref<2x256xi32, #tpu.memory_space<vmem>> -> memref<1x256xi32, #tpu.memory_space<vmem>>
    %dma_wait3A_36 = tpu.memref_squeeze %dma_wait3A_35 : memref<1x256xi32, #tpu.memory_space<vmem>> -> memref<256xi32, #tpu.memory_space<vmem>>
    %dma_wait3A_37 = arith.constant 0 : i32
    %dma_wait3A_38 = arith.constant 0 : i32
    %dma_wait3A_39 = tpu.memref_slice %arg2[%dma_wait3A_37, %dma_wait3A_38] : memref<8192x32xf32, #tpu.memory_space<hbm>> -> memref<8192x32xf32, #tpu.memory_space<hbm>>
    tpu.wait_indirect_dma semaphore(%arg7 : memref<!tpu.dma_semaphore, #tpu.memory_space<semaphore_mem>>) src(%dma_wait3A_39 : memref<8192x32xf32, #tpu.memory_space<hbm>>) dst(%dma_wait3A_33 : memref<256x32xf32, #tpu.memory_space<vmem>>)
    %dma_start3A_40 = arith.constant 0 : i32
    %dma_start3A_41 = arith.constant 0 : i32
    %dma_start3A_42 = arith.constant 0 : i32
    %dma_start3A_43 = tpu.memref_slice %arg6[%dma_start3A_40, %dma_start3A_41, %dma_start3A_42] : memref<2x256x32xf32, #tpu.memory_space<vmem>> -> memref<1x256x32xf32, #tpu.memory_space<vmem>>
    %dma_start3A_44 = tpu.memref_squeeze %dma_start3A_43 : memref<1x256x32xf32, #tpu.memory_space<vmem>> -> memref<256x32xf32, #tpu.memory_space<vmem>>
    %dma_start3A_45 = arith.constant 0 : i32
    %dma_start3A_46 = tpu.memref_slice %arg4[%mul3A_2, %dma_start3A_45] : memref<16384x32xf32, #tpu.memory_space<hbm>> -> memref<256x32xf32, #tpu.memory_space<hbm>>
    %dma_start3A_47 = arith.constant 0 : i32
    %dma_start3A_48 = tpu.memref_slice %arg4[%mul3A_2, %dma_start3A_47] : memref<16384x32xf32, #tpu.memory_space<hbm>> -> memref<256x32xf32, #tpu.memory_space<hbm>>
    %dma_start3A_49 = arith.constant 0 : i32
    %dma_start3A_50 = arith.constant 0 : i32
    %dma_start3A_51 = tpu.memref_slice %arg6[%dma_start3A_40, %dma_start3A_49, %dma_start3A_50] : memref<2x256x32xf32, #tpu.memory_space<vmem>> -> memref<1x256x32xf32, #tpu.memory_space<vmem>>
    %dma_start3A_52 = tpu.memref_squeeze %dma_start3A_51 : memref<1x256x32xf32, #tpu.memory_space<vmem>> -> memref<256x32xf32, #tpu.memory_space<vmem>>
    tpu.enqueue_dma source(%dma_start3A_52 : memref<256x32xf32, #tpu.memory_space<vmem>>) target(%dma_start3A_48 : memref<256x32xf32, #tpu.memory_space<hbm>>) target_semaphore(%arg9 : memref<!tpu.dma_semaphore, #tpu.memory_space<semaphore_mem>>)
    %dma_wait3A_53 = arith.constant 1 : i32
    %dma_wait3A_54 = arith.constant 1 : i32
    %dma_wait3A_55 = arith.constant 0 : i32
    %dma_wait3A_56 = arith.constant 0 : i32
    %dma_wait3A_57 = tpu.memref_slice %arg6[%dma_wait3A_54, %dma_wait3A_55, %dma_wait3A_56] : memref<2x256x32xf32, #tpu.memory_space<vmem>> -> memref<1x256x32xf32, #tpu.memory_space<vmem>>
    %dma_wait3A_58 = tpu.memref_squeeze %dma_wait3A_57 : memref<1x256x32xf32, #tpu.memory_space<vmem>> -> memref<256x32xf32, #tpu.memory_space<vmem>>
    %dma_wait3A_59 = arith.constant 0 : i32
    %dma_wait3A_60 = tpu.memref_slice %arg5[%dma_wait3A_53, %dma_wait3A_59] : memref<2x256xi32, #tpu.memory_space<vmem>> -> memref<1x256xi32, #tpu.memory_space<vmem>>
    %dma_wait3A_61 = tpu.memref_squeeze %dma_wait3A_60 : memref<1x256xi32, #tpu.memory_space<vmem>> -> memref<256xi32, #tpu.memory_space<vmem>>
    %dma_wait3A_62 = arith.constant 0 : i32
    %dma_wait3A_63 = arith.constant 0 : i32
    %dma_wait3A_64 = tpu.memref_slice %arg2[%dma_wait3A_62, %dma_wait3A_63] : memref<8192x32xf32, #tpu.memory_space<hbm>> -> memref<8192x32xf32, #tpu.memory_space<hbm>>
    tpu.wait_indirect_dma semaphore(%arg8 : memref<!tpu.dma_semaphore, #tpu.memory_space<semaphore_mem>>) src(%dma_wait3A_64 : memref<8192x32xf32, #tpu.memory_space<hbm>>) dst(%dma_wait3A_58 : memref<256x32xf32, #tpu.memory_space<vmem>>)
    %add3A_65 = arith.constant 256 : i32
    %add3A_66 = arith.addi %mul3A_2, %add3A_65 : i32
    %run_scoped3A_67 = arith.constant 1 : i32
    "tpu.region"() ({
      %run_scoped3A_81 = tpu.sem_alloc : memref<!tpu.dma_semaphore, #tpu.memory_space<semaphore_mem>>
      %dma_start3A_82 = arith.constant 0 : i32
      %dma_start3A_83 = arith.constant 0 : i32
      %dma_start3A_84 = tpu.memref_slice %arg6[%run_scoped3A_67, %dma_start3A_82, %dma_start3A_83] : memref<2x256x32xf32, #tpu.memory_space<vmem>> -> memref<1x256x32xf32, #tpu.memory_space<vmem>>
      %dma_start3A_85 = tpu.memref_squeeze %dma_start3A_84 : memref<1x256x32xf32, #tpu.memory_space<vmem>> -> memref<256x32xf32, #tpu.memory_space<vmem>>
      %dma_start3A_86 = arith.constant 0 : i32
      %dma_start3A_87 = tpu.memref_slice %arg4[%add3A_66, %dma_start3A_86] : memref<16384x32xf32, #tpu.memory_space<hbm>> -> memref<256x32xf32, #tpu.memory_space<hbm>>
      %dma_start3A_88 = arith.constant 0 : i32
      %dma_start3A_89 = tpu.memref_slice %arg4[%add3A_66, %dma_start3A_88] : memref<16384x32xf32, #tpu.memory_space<hbm>> -> memref<256x32xf32, #tpu.memory_space<hbm>>
      %dma_start3A_90 = arith.constant 0 : i32
      %dma_start3A_91 = arith.constant 0 : i32
      %dma_start3A_92 = tpu.memref_slice %arg6[%run_scoped3A_67, %dma_start3A_90, %dma_start3A_91] : memref<2x256x32xf32, #tpu.memory_space<vmem>> -> memref<1x256x32xf32, #tpu.memory_space<vmem>>
      %dma_start3A_93 = tpu.memref_squeeze %dma_start3A_92 : memref<1x256x32xf32, #tpu.memory_space<vmem>> -> memref<256x32xf32, #tpu.memory_space<vmem>>
      tpu.enqueue_dma source(%dma_start3A_93 : memref<256x32xf32, #tpu.memory_space<vmem>>) target(%dma_start3A_89 : memref<256x32xf32, #tpu.memory_space<hbm>>) target_semaphore(%run_scoped3A_81 : memref<!tpu.dma_semaphore, #tpu.memory_space<semaphore_mem>>)
      %dma_wait3A_94 = arith.constant 0 : i32
      %dma_wait3A_95 = arith.constant 0 : i32
      %dma_wait3A_96 = tpu.memref_slice %arg6[%run_scoped3A_67, %dma_wait3A_94, %dma_wait3A_95] : memref<2x256x32xf32, #tpu.memory_space<vmem>> -> memref<1x256x32xf32, #tpu.memory_space<vmem>>
      %dma_wait3A_97 = tpu.memref_squeeze %dma_wait3A_96 : memref<1x256x32xf32, #tpu.memory_space<vmem>> -> memref<256x32xf32, #tpu.memory_space<vmem>>
      %dma_wait3A_98 = arith.constant 0 : i32
      %dma_wait3A_99 = tpu.memref_slice %arg4[%add3A_66, %dma_wait3A_98] : memref<16384x32xf32, #tpu.memory_space<hbm>> -> memref<256x32xf32, #tpu.memory_space<hbm>>
      %dma_wait3A_100 = arith.constant 0 : i32
      %dma_wait3A_101 = tpu.memref_slice %arg4[%add3A_66, %dma_wait3A_100] : memref<16384x32xf32, #tpu.memory_space<hbm>> -> memref<256x32xf32, #tpu.memory_space<hbm>>
      %dma_wait3A_102 = arith.constant 0 : i32
      %dma_wait3A_103 = arith.constant 0 : i32
      %dma_wait3A_104 = tpu.memref_slice %arg6[%run_scoped3A_67, %dma_wait3A_102, %dma_wait3A_103] : memref<2x256x32xf32, #tpu.memory_space<vmem>> -> memref<1x256x32xf32, #tpu.memory_space<vmem>>
      %dma_wait3A_105 = tpu.memref_squeeze %dma_wait3A_104 : memref<1x256x32xf32, #tpu.memory_space<vmem>> -> memref<256x32xf32, #tpu.memory_space<vmem>>
      tpu.wait_dma2 semaphore(%run_scoped3A_81 : memref<!tpu.dma_semaphore, #tpu.memory_space<semaphore_mem>>) src(%dma_wait3A_105 : memref<256x32xf32, #tpu.memory_space<vmem>>) dst(%dma_wait3A_101 : memref<256x32xf32, #tpu.memory_space<hbm>>)
      tpu.yield
    }) : () -> ()
    %dma_wait3A_68 = arith.constant 0 : i32
    %dma_wait3A_69 = arith.constant 0 : i32
    %dma_wait3A_70 = arith.constant 0 : i32
    %dma_wait3A_71 = tpu.memref_slice %arg6[%dma_wait3A_68, %dma_wait3A_69, %dma_wait3A_70] : memref<2x256x32xf32, #tpu.memory_space<vmem>> -> memref<1x256x32xf32, #tpu.memory_space<vmem>>
    %dma_wait3A_72 = tpu.memref_squeeze %dma_wait3A_71 : memref<1x256x32xf32, #tpu.memory_space<vmem>> -> memref<256x32xf32, #tpu.memory_space<vmem>>
    %dma_wait3A_73 = arith.constant 0 : i32
    %dma_wait3A_74 = tpu.memref_slice %arg4[%mul3A_2, %dma_wait3A_73] : memref<16384x32xf32, #tpu.memory_space<hbm>> -> memref<256x32xf32, #tpu.memory_space<hbm>>
    %dma_wait3A_75 = arith.constant 0 : i32
    %dma_wait3A_76 = tpu.memref_slice %arg4[%mul3A_2, %dma_wait3A_75] : memref<16384x32xf32, #tpu.memory_space<hbm>> -> memref<256x32xf32, #tpu.memory_space<hbm>>
    %dma_wait3A_77 = arith.constant 0 : i32
    %dma_wait3A_78 = arith.constant 0 : i32
    %dma_wait3A_79 = tpu.memref_slice %arg6[%dma_wait3A_68, %dma_wait3A_77, %dma_wait3A_78] : memref<2x256x32xf32, #tpu.memory_space<vmem>> -> memref<1x256x32xf32, #tpu.memory_space<vmem>>
    %dma_wait3A_80 = tpu.memref_squeeze %dma_wait3A_79 : memref<1x256x32xf32, #tpu.memory_space<vmem>> -> memref<256x32xf32, #tpu.memory_space<vmem>>
    tpu.wait_dma2 semaphore(%arg9 : memref<!tpu.dma_semaphore, #tpu.memory_space<semaphore_mem>>) src(%dma_wait3A_80 : memref<256x32xf32, #tpu.memory_space<vmem>>) dst(%dma_wait3A_76 : memref<256x32xf32, #tpu.memory_space<hbm>>)
    return
  }
}

module attributes {stable_mosaic.version = 14 : i64} {
  func.func @_vq_body(%arg0: i32, %arg1: memref<32x1024xf32, #tpu.memory_space<vmem>>, %arg2: memref<8192x32xf32, #tpu.memory_space<vmem>>, %arg3: memref<1x1024xf32, #tpu.memory_space<vmem>>, %arg4: memref<1x8192xf32, #tpu.memory_space<vmem>>, %arg5: memref<1x8192xf32, #tpu.memory_space<vmem>>, %arg6: memref<2x1024xf32, #tpu.memory_space<vmem>>) attributes {dimension_semantics = [#tpu.dimension_semantics<arbitrary>], iteration_bounds = array<i64: 16>, scalar_prefetch = 0 : i64, scratch_operands = 0 : i64, tpu.core_type = #tpu.core_type<tc>, window_params = [{transform_indices = @transform_0, window_bounds = array<i64: 32, 1024>}, {pipeline_mode = #tpu.pipeline_mode<synchronous>, transform_indices = @transform_1, window_bounds = array<i64: 8192, 32>}, {transform_indices = @transform_2, window_bounds = array<i64: 1, 1024>}, {pipeline_mode = #tpu.pipeline_mode<synchronous>, transform_indices = @transform_3, window_bounds = array<i64: 1, 8192>}, {pipeline_mode = #tpu.pipeline_mode<synchronous>, transform_indices = @transform_4, window_bounds = array<i64: 1, 8192>}, {transform_indices = @transform_5, window_bounds = array<i64: 2, 1024>}]} {
    %get3A = arith.constant 0 : index
    %get3A_0 = arith.constant 0 : index
    %get3A_1 = vector.load %arg1[%get3A, %get3A_0] : memref<32x1024xf32, #tpu.memory_space<vmem>>, vector<32x1024xf32>
    %mul3A = arith.constant -2.000000e+00 : f32
    %mul3A_2 = vector.broadcast %mul3A : f32 to vector<32x1024xf32>
    %mul3A_3 = arith.mulf %mul3A_2, %get3A_1 : vector<32x1024xf32>
    %broadcast_in_dim3A = arith.constant 0x7F800000 : f32
    %broadcast_in_dim3A_4 = vector.broadcast %broadcast_in_dim3A : f32 to vector<1024x128xf32>
    %broadcast_in_dim3A_5 = arith.constant 0.000000e+00 : f32
    %broadcast_in_dim3A_6 = vector.broadcast %broadcast_in_dim3A_5 : f32 to vector<1024x128xf32>
    %get3A_7 = arith.constant 0 : index
    %get3A_8 = arith.constant 0 : index
    %get3A_9 = vector.load %arg3[%get3A_7, %get3A_8] : memref<1x1024xf32, #tpu.memory_space<vmem>>, vector<1x1024xf32>
    %transpose3A = tpu.transpose %get3A_9, [1, 0] : vector<1x1024xf32> -> vector<1024x1xf32>
    %get3A_10 = arith.constant 0 : index
    %get3A_11 = arith.constant 0 : index
    %get3A_12 = vector.load %arg2[%get3A_10, %get3A_11] : memref<8192x32xf32, #tpu.memory_space<vmem>>, vector<1024x32xf32>
    %dot_general3A = arith.constant dense<0.000000e+00> : vector<1024x1024xf32>
    %dot_general3A_13 = tpu.matmul %mul3A_3, %get3A_12, %dot_general3A {dimension_numbers = #tpu.dot_dimension_numbers<[0], [1], [1], [0], [0, 1, 1, 0], [], []>, transpose_lhs_hint = false} : vector<32x1024xf32>, vector<1024x32xf32>, vector<1024x1024xf32> -> vector<1024x1024xf32>
    %get3A_14 = arith.constant 0 : index
    %get3A_15 = arith.constant 0 : index
    %get3A_16 = vector.load %arg4[%get3A_14, %get3A_15] : memref<1x8192xf32, #tpu.memory_space<vmem>>, vector<1x128xf32>
    %get3A_17 = arith.constant 0 : index
    %get3A_18 = arith.constant 0 : index
    %get3A_19 = vector.load %arg5[%get3A_17, %get3A_18] : memref<1x8192xf32, #tpu.memory_space<vmem>>, vector<1x128xf32>
    %add3A = vector.broadcast %transpose3A : vector<1024x1xf32> to vector<1024x128xf32>
    %add3A_20 = vector.broadcast %get3A_16 : vector<1x128xf32> to vector<1024x128xf32>
    %add3A_21 = arith.addf %add3A, %add3A_20 : vector<1024x128xf32>
    %slice3A = vector.extract_strided_slice %dot_general3A_13 {offsets = [0, 0], sizes = [1024, 128], strides = [1, 1]} : vector<1024x1024xf32> to vector<1024x128xf32>
    %add3A_22 = arith.addf %add3A_21, %slice3A : vector<1024x128xf32>
    %lt3A = arith.cmpf olt, %add3A_22, %broadcast_in_dim3A_4 : vector<1024x128xf32>
    %select_n3A = arith.select %lt3A, %add3A_22, %broadcast_in_dim3A_4 : vector<1024x128xi1>, vector<1024x128xf32>
    %broadcast_in_dim3A_23 = vector.shape_cast %get3A_19 : vector<1x128xf32> to vector<1x128xf32>
    %broadcast_in_dim3A_24 = vector.broadcast %broadcast_in_dim3A_23 : vector<1x128xf32> to vector<1024x128xf32>
    %select_n3A_25 = arith.select %lt3A, %broadcast_in_dim3A_24, %broadcast_in_dim3A_6 : vector<1024x128xi1>, vector<1024x128xf32>
    %get3A_26 = arith.constant 0 : index
    %get3A_27 = arith.constant 128 : index
    %get3A_28 = vector.load %arg4[%get3A_26, %get3A_27] : memref<1x8192xf32, #tpu.memory_space<vmem>>, vector<1x128xf32>
    %get3A_29 = arith.constant 0 : index
    %get3A_30 = arith.constant 128 : index
    %get3A_31 = vector.load %arg5[%get3A_29, %get3A_30] : memref<1x8192xf32, #tpu.memory_space<vmem>>, vector<1x128xf32>
    %add3A_32 = vector.broadcast %transpose3A : vector<1024x1xf32> to vector<1024x128xf32>
    %add3A_33 = vector.broadcast %get3A_28 : vector<1x128xf32> to vector<1024x128xf32>
    %add3A_34 = arith.addf %add3A_32, %add3A_33 : vector<1024x128xf32>
    %slice3A_35 = vector.extract_strided_slice %dot_general3A_13 {offsets = [0, 128], sizes = [1024, 128], strides = [1, 1]} : vector<1024x1024xf32> to vector<1024x128xf32>
    %add3A_36 = arith.addf %add3A_34, %slice3A_35 : vector<1024x128xf32>
    %lt3A_37 = arith.cmpf olt, %add3A_36, %select_n3A : vector<1024x128xf32>
    %select_n3A_38 = arith.select %lt3A_37, %add3A_36, %select_n3A : vector<1024x128xi1>, vector<1024x128xf32>
    %broadcast_in_dim3A_39 = vector.shape_cast %get3A_31 : vector<1x128xf32> to vector<1x128xf32>
    %broadcast_in_dim3A_40 = vector.broadcast %broadcast_in_dim3A_39 : vector<1x128xf32> to vector<1024x128xf32>
    %select_n3A_41 = arith.select %lt3A_37, %broadcast_in_dim3A_40, %select_n3A_25 : vector<1024x128xi1>, vector<1024x128xf32>
    %get3A_42 = arith.constant 0 : index
    %get3A_43 = arith.constant 256 : index
    %get3A_44 = vector.load %arg4[%get3A_42, %get3A_43] : memref<1x8192xf32, #tpu.memory_space<vmem>>, vector<1x128xf32>
    %get3A_45 = arith.constant 0 : index
    %get3A_46 = arith.constant 256 : index
    %get3A_47 = vector.load %arg5[%get3A_45, %get3A_46] : memref<1x8192xf32, #tpu.memory_space<vmem>>, vector<1x128xf32>
    %add3A_48 = vector.broadcast %transpose3A : vector<1024x1xf32> to vector<1024x128xf32>
    %add3A_49 = vector.broadcast %get3A_44 : vector<1x128xf32> to vector<1024x128xf32>
    %add3A_50 = arith.addf %add3A_48, %add3A_49 : vector<1024x128xf32>
    %slice3A_51 = vector.extract_strided_slice %dot_general3A_13 {offsets = [0, 256], sizes = [1024, 128], strides = [1, 1]} : vector<1024x1024xf32> to vector<1024x128xf32>
    %add3A_52 = arith.addf %add3A_50, %slice3A_51 : vector<1024x128xf32>
    %lt3A_53 = arith.cmpf olt, %add3A_52, %select_n3A_38 : vector<1024x128xf32>
    %select_n3A_54 = arith.select %lt3A_53, %add3A_52, %select_n3A_38 : vector<1024x128xi1>, vector<1024x128xf32>
    %broadcast_in_dim3A_55 = vector.shape_cast %get3A_47 : vector<1x128xf32> to vector<1x128xf32>
    %broadcast_in_dim3A_56 = vector.broadcast %broadcast_in_dim3A_55 : vector<1x128xf32> to vector<1024x128xf32>
    %select_n3A_57 = arith.select %lt3A_53, %broadcast_in_dim3A_56, %select_n3A_41 : vector<1024x128xi1>, vector<1024x128xf32>
    %get3A_58 = arith.constant 0 : index
    %get3A_59 = arith.constant 384 : index
    %get3A_60 = vector.load %arg4[%get3A_58, %get3A_59] : memref<1x8192xf32, #tpu.memory_space<vmem>>, vector<1x128xf32>
    %get3A_61 = arith.constant 0 : index
    %get3A_62 = arith.constant 384 : index
    %get3A_63 = vector.load %arg5[%get3A_61, %get3A_62] : memref<1x8192xf32, #tpu.memory_space<vmem>>, vector<1x128xf32>
    %add3A_64 = vector.broadcast %transpose3A : vector<1024x1xf32> to vector<1024x128xf32>
    %add3A_65 = vector.broadcast %get3A_60 : vector<1x128xf32> to vector<1024x128xf32>
    %add3A_66 = arith.addf %add3A_64, %add3A_65 : vector<1024x128xf32>
    %slice3A_67 = vector.extract_strided_slice %dot_general3A_13 {offsets = [0, 384], sizes = [1024, 128], strides = [1, 1]} : vector<1024x1024xf32> to vector<1024x128xf32>
    %add3A_68 = arith.addf %add3A_66, %slice3A_67 : vector<1024x128xf32>
    %lt3A_69 = arith.cmpf olt, %add3A_68, %select_n3A_54 : vector<1024x128xf32>
    %select_n3A_70 = arith.select %lt3A_69, %add3A_68, %select_n3A_54 : vector<1024x128xi1>, vector<1024x128xf32>
    %broadcast_in_dim3A_71 = vector.shape_cast %get3A_63 : vector<1x128xf32> to vector<1x128xf32>
    %broadcast_in_dim3A_72 = vector.broadcast %broadcast_in_dim3A_71 : vector<1x128xf32> to vector<1024x128xf32>
    %select_n3A_73 = arith.select %lt3A_69, %broadcast_in_dim3A_72, %select_n3A_57 : vector<1024x128xi1>, vector<1024x128xf32>
    %get3A_74 = arith.constant 0 : index
    %get3A_75 = arith.constant 512 : index
    %get3A_76 = vector.load %arg4[%get3A_74, %get3A_75] : memref<1x8192xf32, #tpu.memory_space<vmem>>, vector<1x128xf32>
    %get3A_77 = arith.constant 0 : index
    %get3A_78 = arith.constant 512 : index
    %get3A_79 = vector.load %arg5[%get3A_77, %get3A_78] : memref<1x8192xf32, #tpu.memory_space<vmem>>, vector<1x128xf32>
    %add3A_80 = vector.broadcast %transpose3A : vector<1024x1xf32> to vector<1024x128xf32>
    %add3A_81 = vector.broadcast %get3A_76 : vector<1x128xf32> to vector<1024x128xf32>
    %add3A_82 = arith.addf %add3A_80, %add3A_81 : vector<1024x128xf32>
    %slice3A_83 = vector.extract_strided_slice %dot_general3A_13 {offsets = [0, 512], sizes = [1024, 128], strides = [1, 1]} : vector<1024x1024xf32> to vector<1024x128xf32>
    %add3A_84 = arith.addf %add3A_82, %slice3A_83 : vector<1024x128xf32>
    %lt3A_85 = arith.cmpf olt, %add3A_84, %select_n3A_70 : vector<1024x128xf32>
    %select_n3A_86 = arith.select %lt3A_85, %add3A_84, %select_n3A_70 : vector<1024x128xi1>, vector<1024x128xf32>
    %broadcast_in_dim3A_87 = vector.shape_cast %get3A_79 : vector<1x128xf32> to vector<1x128xf32>
    %broadcast_in_dim3A_88 = vector.broadcast %broadcast_in_dim3A_87 : vector<1x128xf32> to vector<1024x128xf32>
    %select_n3A_89 = arith.select %lt3A_85, %broadcast_in_dim3A_88, %select_n3A_73 : vector<1024x128xi1>, vector<1024x128xf32>
    %get3A_90 = arith.constant 0 : index
    %get3A_91 = arith.constant 640 : index
    %get3A_92 = vector.load %arg4[%get3A_90, %get3A_91] : memref<1x8192xf32, #tpu.memory_space<vmem>>, vector<1x128xf32>
    %get3A_93 = arith.constant 0 : index
    %get3A_94 = arith.constant 640 : index
    %get3A_95 = vector.load %arg5[%get3A_93, %get3A_94] : memref<1x8192xf32, #tpu.memory_space<vmem>>, vector<1x128xf32>
    %add3A_96 = vector.broadcast %transpose3A : vector<1024x1xf32> to vector<1024x128xf32>
    %add3A_97 = vector.broadcast %get3A_92 : vector<1x128xf32> to vector<1024x128xf32>
    %add3A_98 = arith.addf %add3A_96, %add3A_97 : vector<1024x128xf32>
    %slice3A_99 = vector.extract_strided_slice %dot_general3A_13 {offsets = [0, 640], sizes = [1024, 128], strides = [1, 1]} : vector<1024x1024xf32> to vector<1024x128xf32>
    %add3A_100 = arith.addf %add3A_98, %slice3A_99 : vector<1024x128xf32>
    %lt3A_101 = arith.cmpf olt, %add3A_100, %select_n3A_86 : vector<1024x128xf32>
    %select_n3A_102 = arith.select %lt3A_101, %add3A_100, %select_n3A_86 : vector<1024x128xi1>, vector<1024x128xf32>
    %broadcast_in_dim3A_103 = vector.shape_cast %get3A_95 : vector<1x128xf32> to vector<1x128xf32>
    %broadcast_in_dim3A_104 = vector.broadcast %broadcast_in_dim3A_103 : vector<1x128xf32> to vector<1024x128xf32>
    %select_n3A_105 = arith.select %lt3A_101, %broadcast_in_dim3A_104, %select_n3A_89 : vector<1024x128xi1>, vector<1024x128xf32>
    %get3A_106 = arith.constant 0 : index
    %get3A_107 = arith.constant 768 : index
    %get3A_108 = vector.load %arg4[%get3A_106, %get3A_107] : memref<1x8192xf32, #tpu.memory_space<vmem>>, vector<1x128xf32>
    %get3A_109 = arith.constant 0 : index
    %get3A_110 = arith.constant 768 : index
    %get3A_111 = vector.load %arg5[%get3A_109, %get3A_110] : memref<1x8192xf32, #tpu.memory_space<vmem>>, vector<1x128xf32>
    %add3A_112 = vector.broadcast %transpose3A : vector<1024x1xf32> to vector<1024x128xf32>
    %add3A_113 = vector.broadcast %get3A_108 : vector<1x128xf32> to vector<1024x128xf32>
    %add3A_114 = arith.addf %add3A_112, %add3A_113 : vector<1024x128xf32>
    %slice3A_115 = vector.extract_strided_slice %dot_general3A_13 {offsets = [0, 768], sizes = [1024, 128], strides = [1, 1]} : vector<1024x1024xf32> to vector<1024x128xf32>
    %add3A_116 = arith.addf %add3A_114, %slice3A_115 : vector<1024x128xf32>
    %lt3A_117 = arith.cmpf olt, %add3A_116, %select_n3A_102 : vector<1024x128xf32>
    %select_n3A_118 = arith.select %lt3A_117, %add3A_116, %select_n3A_102 : vector<1024x128xi1>, vector<1024x128xf32>
    %broadcast_in_dim3A_119 = vector.shape_cast %get3A_111 : vector<1x128xf32> to vector<1x128xf32>
    %broadcast_in_dim3A_120 = vector.broadcast %broadcast_in_dim3A_119 : vector<1x128xf32> to vector<1024x128xf32>
    %select_n3A_121 = arith.select %lt3A_117, %broadcast_in_dim3A_120, %select_n3A_105 : vector<1024x128xi1>, vector<1024x128xf32>
    %get3A_122 = arith.constant 0 : index
    %get3A_123 = arith.constant 896 : index
    %get3A_124 = vector.load %arg4[%get3A_122, %get3A_123] : memref<1x8192xf32, #tpu.memory_space<vmem>>, vector<1x128xf32>
    %get3A_125 = arith.constant 0 : index
    %get3A_126 = arith.constant 896 : index
    %get3A_127 = vector.load %arg5[%get3A_125, %get3A_126] : memref<1x8192xf32, #tpu.memory_space<vmem>>, vector<1x128xf32>
    %add3A_128 = vector.broadcast %transpose3A : vector<1024x1xf32> to vector<1024x128xf32>
    %add3A_129 = vector.broadcast %get3A_124 : vector<1x128xf32> to vector<1024x128xf32>
    %add3A_130 = arith.addf %add3A_128, %add3A_129 : vector<1024x128xf32>
    %slice3A_131 = vector.extract_strided_slice %dot_general3A_13 {offsets = [0, 896], sizes = [1024, 128], strides = [1, 1]} : vector<1024x1024xf32> to vector<1024x128xf32>
    %add3A_132 = arith.addf %add3A_130, %slice3A_131 : vector<1024x128xf32>
    %lt3A_133 = arith.cmpf olt, %add3A_132, %select_n3A_118 : vector<1024x128xf32>
    %select_n3A_134 = arith.select %lt3A_133, %add3A_132, %select_n3A_118 : vector<1024x128xi1>, vector<1024x128xf32>
    %broadcast_in_dim3A_135 = vector.shape_cast %get3A_127 : vector<1x128xf32> to vector<1x128xf32>
    %broadcast_in_dim3A_136 = vector.broadcast %broadcast_in_dim3A_135 : vector<1x128xf32> to vector<1024x128xf32>
    %select_n3A_137 = arith.select %lt3A_133, %broadcast_in_dim3A_136, %select_n3A_121 : vector<1024x128xi1>, vector<1024x128xf32>
    %get3A_138 = arith.constant 1024 : index
    %get3A_139 = arith.constant 0 : index
    %get3A_140 = vector.load %arg2[%get3A_138, %get3A_139] : memref<8192x32xf32, #tpu.memory_space<vmem>>, vector<1024x32xf32>
    %dot_general3A_141 = arith.constant dense<0.000000e+00> : vector<1024x1024xf32>
    %dot_general3A_142 = tpu.matmul %mul3A_3, %get3A_140, %dot_general3A_141 {dimension_numbers = #tpu.dot_dimension_numbers<[0], [1], [1], [0], [0, 1, 1, 0], [], []>, transpose_lhs_hint = false} : vector<32x1024xf32>, vector<1024x32xf32>, vector<1024x1024xf32> -> vector<1024x1024xf32>
    %get3A_143 = arith.constant 0 : index
    %get3A_144 = arith.constant 1024 : index
    %get3A_145 = vector.load %arg4[%get3A_143, %get3A_144] : memref<1x8192xf32, #tpu.memory_space<vmem>>, vector<1x128xf32>
    %get3A_146 = arith.constant 0 : index
    %get3A_147 = arith.constant 1024 : index
    %get3A_148 = vector.load %arg5[%get3A_146, %get3A_147] : memref<1x8192xf32, #tpu.memory_space<vmem>>, vector<1x128xf32>
    %add3A_149 = vector.broadcast %transpose3A : vector<1024x1xf32> to vector<1024x128xf32>
    %add3A_150 = vector.broadcast %get3A_145 : vector<1x128xf32> to vector<1024x128xf32>
    %add3A_151 = arith.addf %add3A_149, %add3A_150 : vector<1024x128xf32>
    %slice3A_152 = vector.extract_strided_slice %dot_general3A_142 {offsets = [0, 0], sizes = [1024, 128], strides = [1, 1]} : vector<1024x1024xf32> to vector<1024x128xf32>
    %add3A_153 = arith.addf %add3A_151, %slice3A_152 : vector<1024x128xf32>
    %lt3A_154 = arith.cmpf olt, %add3A_153, %select_n3A_134 : vector<1024x128xf32>
    %select_n3A_155 = arith.select %lt3A_154, %add3A_153, %select_n3A_134 : vector<1024x128xi1>, vector<1024x128xf32>
    %broadcast_in_dim3A_156 = vector.shape_cast %get3A_148 : vector<1x128xf32> to vector<1x128xf32>
    %broadcast_in_dim3A_157 = vector.broadcast %broadcast_in_dim3A_156 : vector<1x128xf32> to vector<1024x128xf32>
    %select_n3A_158 = arith.select %lt3A_154, %broadcast_in_dim3A_157, %select_n3A_137 : vector<1024x128xi1>, vector<1024x128xf32>
    %get3A_159 = arith.constant 0 : index
    %get3A_160 = arith.constant 1152 : index
    %get3A_161 = vector.load %arg4[%get3A_159, %get3A_160] : memref<1x8192xf32, #tpu.memory_space<vmem>>, vector<1x128xf32>
    %get3A_162 = arith.constant 0 : index
    %get3A_163 = arith.constant 1152 : index
    %get3A_164 = vector.load %arg5[%get3A_162, %get3A_163] : memref<1x8192xf32, #tpu.memory_space<vmem>>, vector<1x128xf32>
    %add3A_165 = vector.broadcast %transpose3A : vector<1024x1xf32> to vector<1024x128xf32>
    %add3A_166 = vector.broadcast %get3A_161 : vector<1x128xf32> to vector<1024x128xf32>
    %add3A_167 = arith.addf %add3A_165, %add3A_166 : vector<1024x128xf32>
    %slice3A_168 = vector.extract_strided_slice %dot_general3A_142 {offsets = [0, 128], sizes = [1024, 128], strides = [1, 1]} : vector<1024x1024xf32> to vector<1024x128xf32>
    %add3A_169 = arith.addf %add3A_167, %slice3A_168 : vector<1024x128xf32>
    %lt3A_170 = arith.cmpf olt, %add3A_169, %select_n3A_155 : vector<1024x128xf32>
    %select_n3A_171 = arith.select %lt3A_170, %add3A_169, %select_n3A_155 : vector<1024x128xi1>, vector<1024x128xf32>
    %broadcast_in_dim3A_172 = vector.shape_cast %get3A_164 : vector<1x128xf32> to vector<1x128xf32>
    %broadcast_in_dim3A_173 = vector.broadcast %broadcast_in_dim3A_172 : vector<1x128xf32> to vector<1024x128xf32>
    %select_n3A_174 = arith.select %lt3A_170, %broadcast_in_dim3A_173, %select_n3A_158 : vector<1024x128xi1>, vector<1024x128xf32>
    %get3A_175 = arith.constant 0 : index
    %get3A_176 = arith.constant 1280 : index
    %get3A_177 = vector.load %arg4[%get3A_175, %get3A_176] : memref<1x8192xf32, #tpu.memory_space<vmem>>, vector<1x128xf32>
    %get3A_178 = arith.constant 0 : index
    %get3A_179 = arith.constant 1280 : index
    %get3A_180 = vector.load %arg5[%get3A_178, %get3A_179] : memref<1x8192xf32, #tpu.memory_space<vmem>>, vector<1x128xf32>
    %add3A_181 = vector.broadcast %transpose3A : vector<1024x1xf32> to vector<1024x128xf32>
    %add3A_182 = vector.broadcast %get3A_177 : vector<1x128xf32> to vector<1024x128xf32>
    %add3A_183 = arith.addf %add3A_181, %add3A_182 : vector<1024x128xf32>
    %slice3A_184 = vector.extract_strided_slice %dot_general3A_142 {offsets = [0, 256], sizes = [1024, 128], strides = [1, 1]} : vector<1024x1024xf32> to vector<1024x128xf32>
    %add3A_185 = arith.addf %add3A_183, %slice3A_184 : vector<1024x128xf32>
    %lt3A_186 = arith.cmpf olt, %add3A_185, %select_n3A_171 : vector<1024x128xf32>
    %select_n3A_187 = arith.select %lt3A_186, %add3A_185, %select_n3A_171 : vector<1024x128xi1>, vector<1024x128xf32>
    %broadcast_in_dim3A_188 = vector.shape_cast %get3A_180 : vector<1x128xf32> to vector<1x128xf32>
    %broadcast_in_dim3A_189 = vector.broadcast %broadcast_in_dim3A_188 : vector<1x128xf32> to vector<1024x128xf32>
    %select_n3A_190 = arith.select %lt3A_186, %broadcast_in_dim3A_189, %select_n3A_174 : vector<1024x128xi1>, vector<1024x128xf32>
    %get3A_191 = arith.constant 0 : index
    %get3A_192 = arith.constant 1408 : index
    %get3A_193 = vector.load %arg4[%get3A_191, %get3A_192] : memref<1x8192xf32, #tpu.memory_space<vmem>>, vector<1x128xf32>
    %get3A_194 = arith.constant 0 : index
    %get3A_195 = arith.constant 1408 : index
    %get3A_196 = vector.load %arg5[%get3A_194, %get3A_195] : memref<1x8192xf32, #tpu.memory_space<vmem>>, vector<1x128xf32>
    %add3A_197 = vector.broadcast %transpose3A : vector<1024x1xf32> to vector<1024x128xf32>
    %add3A_198 = vector.broadcast %get3A_193 : vector<1x128xf32> to vector<1024x128xf32>
    %add3A_199 = arith.addf %add3A_197, %add3A_198 : vector<1024x128xf32>
    %slice3A_200 = vector.extract_strided_slice %dot_general3A_142 {offsets = [0, 384], sizes = [1024, 128], strides = [1, 1]} : vector<1024x1024xf32> to vector<1024x128xf32>
    %add3A_201 = arith.addf %add3A_199, %slice3A_200 : vector<1024x128xf32>
    %lt3A_202 = arith.cmpf olt, %add3A_201, %select_n3A_187 : vector<1024x128xf32>
    %select_n3A_203 = arith.select %lt3A_202, %add3A_201, %select_n3A_187 : vector<1024x128xi1>, vector<1024x128xf32>
    %broadcast_in_dim3A_204 = vector.shape_cast %get3A_196 : vector<1x128xf32> to vector<1x128xf32>
    %broadcast_in_dim3A_205 = vector.broadcast %broadcast_in_dim3A_204 : vector<1x128xf32> to vector<1024x128xf32>
    %select_n3A_206 = arith.select %lt3A_202, %broadcast_in_dim3A_205, %select_n3A_190 : vector<1024x128xi1>, vector<1024x128xf32>
    %get3A_207 = arith.constant 0 : index
    %get3A_208 = arith.constant 1536 : index
    %get3A_209 = vector.load %arg4[%get3A_207, %get3A_208] : memref<1x8192xf32, #tpu.memory_space<vmem>>, vector<1x128xf32>
    %get3A_210 = arith.constant 0 : index
    %get3A_211 = arith.constant 1536 : index
    %get3A_212 = vector.load %arg5[%get3A_210, %get3A_211] : memref<1x8192xf32, #tpu.memory_space<vmem>>, vector<1x128xf32>
    %add3A_213 = vector.broadcast %transpose3A : vector<1024x1xf32> to vector<1024x128xf32>
    %add3A_214 = vector.broadcast %get3A_209 : vector<1x128xf32> to vector<1024x128xf32>
    %add3A_215 = arith.addf %add3A_213, %add3A_214 : vector<1024x128xf32>
    %slice3A_216 = vector.extract_strided_slice %dot_general3A_142 {offsets = [0, 512], sizes = [1024, 128], strides = [1, 1]} : vector<1024x1024xf32> to vector<1024x128xf32>
    %add3A_217 = arith.addf %add3A_215, %slice3A_216 : vector<1024x128xf32>
    %lt3A_218 = arith.cmpf olt, %add3A_217, %select_n3A_203 : vector<1024x128xf32>
    %select_n3A_219 = arith.select %lt3A_218, %add3A_217, %select_n3A_203 : vector<1024x128xi1>, vector<1024x128xf32>
    %broadcast_in_dim3A_220 = vector.shape_cast %get3A_212 : vector<1x128xf32> to vector<1x128xf32>
    %broadcast_in_dim3A_221 = vector.broadcast %broadcast_in_dim3A_220 : vector<1x128xf32> to vector<1024x128xf32>
    %select_n3A_222 = arith.select %lt3A_218, %broadcast_in_dim3A_221, %select_n3A_206 : vector<1024x128xi1>, vector<1024x128xf32>
    %get3A_223 = arith.constant 0 : index
    %get3A_224 = arith.constant 1664 : index
    %get3A_225 = vector.load %arg4[%get3A_223, %get3A_224] : memref<1x8192xf32, #tpu.memory_space<vmem>>, vector<1x128xf32>
    %get3A_226 = arith.constant 0 : index
    %get3A_227 = arith.constant 1664 : index
    %get3A_228 = vector.load %arg5[%get3A_226, %get3A_227] : memref<1x8192xf32, #tpu.memory_space<vmem>>, vector<1x128xf32>
    %add3A_229 = vector.broadcast %transpose3A : vector<1024x1xf32> to vector<1024x128xf32>
    %add3A_230 = vector.broadcast %get3A_225 : vector<1x128xf32> to vector<1024x128xf32>
    %add3A_231 = arith.addf %add3A_229, %add3A_230 : vector<1024x128xf32>
    %slice3A_232 = vector.extract_strided_slice %dot_general3A_142 {offsets = [0, 640], sizes = [1024, 128], strides = [1, 1]} : vector<1024x1024xf32> to vector<1024x128xf32>
    %add3A_233 = arith.addf %add3A_231, %slice3A_232 : vector<1024x128xf32>
    %lt3A_234 = arith.cmpf olt, %add3A_233, %select_n3A_219 : vector<1024x128xf32>
    %select_n3A_235 = arith.select %lt3A_234, %add3A_233, %select_n3A_219 : vector<1024x128xi1>, vector<1024x128xf32>
    %broadcast_in_dim3A_236 = vector.shape_cast %get3A_228 : vector<1x128xf32> to vector<1x128xf32>
    %broadcast_in_dim3A_237 = vector.broadcast %broadcast_in_dim3A_236 : vector<1x128xf32> to vector<1024x128xf32>
    %select_n3A_238 = arith.select %lt3A_234, %broadcast_in_dim3A_237, %select_n3A_222 : vector<1024x128xi1>, vector<1024x128xf32>
    %get3A_239 = arith.constant 0 : index
    %get3A_240 = arith.constant 1792 : index
    %get3A_241 = vector.load %arg4[%get3A_239, %get3A_240] : memref<1x8192xf32, #tpu.memory_space<vmem>>, vector<1x128xf32>
    %get3A_242 = arith.constant 0 : index
    %get3A_243 = arith.constant 1792 : index
    %get3A_244 = vector.load %arg5[%get3A_242, %get3A_243] : memref<1x8192xf32, #tpu.memory_space<vmem>>, vector<1x128xf32>
    %add3A_245 = vector.broadcast %transpose3A : vector<1024x1xf32> to vector<1024x128xf32>
    %add3A_246 = vector.broadcast %get3A_241 : vector<1x128xf32> to vector<1024x128xf32>
    %add3A_247 = arith.addf %add3A_245, %add3A_246 : vector<1024x128xf32>
    %slice3A_248 = vector.extract_strided_slice %dot_general3A_142 {offsets = [0, 768], sizes = [1024, 128], strides = [1, 1]} : vector<1024x1024xf32> to vector<1024x128xf32>
    %add3A_249 = arith.addf %add3A_247, %slice3A_248 : vector<1024x128xf32>
    %lt3A_250 = arith.cmpf olt, %add3A_249, %select_n3A_235 : vector<1024x128xf32>
    %select_n3A_251 = arith.select %lt3A_250, %add3A_249, %select_n3A_235 : vector<1024x128xi1>, vector<1024x128xf32>
    %broadcast_in_dim3A_252 = vector.shape_cast %get3A_244 : vector<1x128xf32> to vector<1x128xf32>
    %broadcast_in_dim3A_253 = vector.broadcast %broadcast_in_dim3A_252 : vector<1x128xf32> to vector<1024x128xf32>
    %select_n3A_254 = arith.select %lt3A_250, %broadcast_in_dim3A_253, %select_n3A_238 : vector<1024x128xi1>, vector<1024x128xf32>
    %get3A_255 = arith.constant 0 : index
    %get3A_256 = arith.constant 1920 : index
    %get3A_257 = vector.load %arg4[%get3A_255, %get3A_256] : memref<1x8192xf32, #tpu.memory_space<vmem>>, vector<1x128xf32>
    %get3A_258 = arith.constant 0 : index
    %get3A_259 = arith.constant 1920 : index
    %get3A_260 = vector.load %arg5[%get3A_258, %get3A_259] : memref<1x8192xf32, #tpu.memory_space<vmem>>, vector<1x128xf32>
    %add3A_261 = vector.broadcast %transpose3A : vector<1024x1xf32> to vector<1024x128xf32>
    %add3A_262 = vector.broadcast %get3A_257 : vector<1x128xf32> to vector<1024x128xf32>
    %add3A_263 = arith.addf %add3A_261, %add3A_262 : vector<1024x128xf32>
    %slice3A_264 = vector.extract_strided_slice %dot_general3A_142 {offsets = [0, 896], sizes = [1024, 128], strides = [1, 1]} : vector<1024x1024xf32> to vector<1024x128xf32>
    %add3A_265 = arith.addf %add3A_263, %slice3A_264 : vector<1024x128xf32>
    %lt3A_266 = arith.cmpf olt, %add3A_265, %select_n3A_251 : vector<1024x128xf32>
    %select_n3A_267 = arith.select %lt3A_266, %add3A_265, %select_n3A_251 : vector<1024x128xi1>, vector<1024x128xf32>
    %broadcast_in_dim3A_268 = vector.shape_cast %get3A_260 : vector<1x128xf32> to vector<1x128xf32>
    %broadcast_in_dim3A_269 = vector.broadcast %broadcast_in_dim3A_268 : vector<1x128xf32> to vector<1024x128xf32>
    %select_n3A_270 = arith.select %lt3A_266, %broadcast_in_dim3A_269, %select_n3A_254 : vector<1024x128xi1>, vector<1024x128xf32>
    %get3A_271 = arith.constant 2048 : index
    %get3A_272 = arith.constant 0 : index
    %get3A_273 = vector.load %arg2[%get3A_271, %get3A_272] : memref<8192x32xf32, #tpu.memory_space<vmem>>, vector<1024x32xf32>
    %dot_general3A_274 = arith.constant dense<0.000000e+00> : vector<1024x1024xf32>
    %dot_general3A_275 = tpu.matmul %mul3A_3, %get3A_273, %dot_general3A_274 {dimension_numbers = #tpu.dot_dimension_numbers<[0], [1], [1], [0], [0, 1, 1, 0], [], []>, transpose_lhs_hint = false} : vector<32x1024xf32>, vector<1024x32xf32>, vector<1024x1024xf32> -> vector<1024x1024xf32>
    %get3A_276 = arith.constant 0 : index
    %get3A_277 = arith.constant 2048 : index
    %get3A_278 = vector.load %arg4[%get3A_276, %get3A_277] : memref<1x8192xf32, #tpu.memory_space<vmem>>, vector<1x128xf32>
    %get3A_279 = arith.constant 0 : index
    %get3A_280 = arith.constant 2048 : index
    %get3A_281 = vector.load %arg5[%get3A_279, %get3A_280] : memref<1x8192xf32, #tpu.memory_space<vmem>>, vector<1x128xf32>
    %add3A_282 = vector.broadcast %transpose3A : vector<1024x1xf32> to vector<1024x128xf32>
    %add3A_283 = vector.broadcast %get3A_278 : vector<1x128xf32> to vector<1024x128xf32>
    %add3A_284 = arith.addf %add3A_282, %add3A_283 : vector<1024x128xf32>
    %slice3A_285 = vector.extract_strided_slice %dot_general3A_275 {offsets = [0, 0], sizes = [1024, 128], strides = [1, 1]} : vector<1024x1024xf32> to vector<1024x128xf32>
    %add3A_286 = arith.addf %add3A_284, %slice3A_285 : vector<1024x128xf32>
    %lt3A_287 = arith.cmpf olt, %add3A_286, %select_n3A_267 : vector<1024x128xf32>
    %select_n3A_288 = arith.select %lt3A_287, %add3A_286, %select_n3A_267 : vector<1024x128xi1>, vector<1024x128xf32>
    %broadcast_in_dim3A_289 = vector.shape_cast %get3A_281 : vector<1x128xf32> to vector<1x128xf32>
    %broadcast_in_dim3A_290 = vector.broadcast %broadcast_in_dim3A_289 : vector<1x128xf32> to vector<1024x128xf32>
    %select_n3A_291 = arith.select %lt3A_287, %broadcast_in_dim3A_290, %select_n3A_270 : vector<1024x128xi1>, vector<1024x128xf32>
    %get3A_292 = arith.constant 0 : index
    %get3A_293 = arith.constant 2176 : index
    %get3A_294 = vector.load %arg4[%get3A_292, %get3A_293] : memref<1x8192xf32, #tpu.memory_space<vmem>>, vector<1x128xf32>
    %get3A_295 = arith.constant 0 : index
    %get3A_296 = arith.constant 2176 : index
    %get3A_297 = vector.load %arg5[%get3A_295, %get3A_296] : memref<1x8192xf32, #tpu.memory_space<vmem>>, vector<1x128xf32>
    %add3A_298 = vector.broadcast %transpose3A : vector<1024x1xf32> to vector<1024x128xf32>
    %add3A_299 = vector.broadcast %get3A_294 : vector<1x128xf32> to vector<1024x128xf32>
    %add3A_300 = arith.addf %add3A_298, %add3A_299 : vector<1024x128xf32>
    %slice3A_301 = vector.extract_strided_slice %dot_general3A_275 {offsets = [0, 128], sizes = [1024, 128], strides = [1, 1]} : vector<1024x1024xf32> to vector<1024x128xf32>
    %add3A_302 = arith.addf %add3A_300, %slice3A_301 : vector<1024x128xf32>
    %lt3A_303 = arith.cmpf olt, %add3A_302, %select_n3A_288 : vector<1024x128xf32>
    %select_n3A_304 = arith.select %lt3A_303, %add3A_302, %select_n3A_288 : vector<1024x128xi1>, vector<1024x128xf32>
    %broadcast_in_dim3A_305 = vector.shape_cast %get3A_297 : vector<1x128xf32> to vector<1x128xf32>
    %broadcast_in_dim3A_306 = vector.broadcast %broadcast_in_dim3A_305 : vector<1x128xf32> to vector<1024x128xf32>
    %select_n3A_307 = arith.select %lt3A_303, %broadcast_in_dim3A_306, %select_n3A_291 : vector<1024x128xi1>, vector<1024x128xf32>
    %get3A_308 = arith.constant 0 : index
    %get3A_309 = arith.constant 2304 : index
    %get3A_310 = vector.load %arg4[%get3A_308, %get3A_309] : memref<1x8192xf32, #tpu.memory_space<vmem>>, vector<1x128xf32>
    %get3A_311 = arith.constant 0 : index
    %get3A_312 = arith.constant 2304 : index
    %get3A_313 = vector.load %arg5[%get3A_311, %get3A_312] : memref<1x8192xf32, #tpu.memory_space<vmem>>, vector<1x128xf32>
    %add3A_314 = vector.broadcast %transpose3A : vector<1024x1xf32> to vector<1024x128xf32>
    %add3A_315 = vector.broadcast %get3A_310 : vector<1x128xf32> to vector<1024x128xf32>
    %add3A_316 = arith.addf %add3A_314, %add3A_315 : vector<1024x128xf32>
    %slice3A_317 = vector.extract_strided_slice %dot_general3A_275 {offsets = [0, 256], sizes = [1024, 128], strides = [1, 1]} : vector<1024x1024xf32> to vector<1024x128xf32>
    %add3A_318 = arith.addf %add3A_316, %slice3A_317 : vector<1024x128xf32>
    %lt3A_319 = arith.cmpf olt, %add3A_318, %select_n3A_304 : vector<1024x128xf32>
    %select_n3A_320 = arith.select %lt3A_319, %add3A_318, %select_n3A_304 : vector<1024x128xi1>, vector<1024x128xf32>
    %broadcast_in_dim3A_321 = vector.shape_cast %get3A_313 : vector<1x128xf32> to vector<1x128xf32>
    %broadcast_in_dim3A_322 = vector.broadcast %broadcast_in_dim3A_321 : vector<1x128xf32> to vector<1024x128xf32>
    %select_n3A_323 = arith.select %lt3A_319, %broadcast_in_dim3A_322, %select_n3A_307 : vector<1024x128xi1>, vector<1024x128xf32>
    %get3A_324 = arith.constant 0 : index
    %get3A_325 = arith.constant 2432 : index
    %get3A_326 = vector.load %arg4[%get3A_324, %get3A_325] : memref<1x8192xf32, #tpu.memory_space<vmem>>, vector<1x128xf32>
    %get3A_327 = arith.constant 0 : index
    %get3A_328 = arith.constant 2432 : index
    %get3A_329 = vector.load %arg5[%get3A_327, %get3A_328] : memref<1x8192xf32, #tpu.memory_space<vmem>>, vector<1x128xf32>
    %add3A_330 = vector.broadcast %transpose3A : vector<1024x1xf32> to vector<1024x128xf32>
    %add3A_331 = vector.broadcast %get3A_326 : vector<1x128xf32> to vector<1024x128xf32>
    %add3A_332 = arith.addf %add3A_330, %add3A_331 : vector<1024x128xf32>
    %slice3A_333 = vector.extract_strided_slice %dot_general3A_275 {offsets = [0, 384], sizes = [1024, 128], strides = [1, 1]} : vector<1024x1024xf32> to vector<1024x128xf32>
    %add3A_334 = arith.addf %add3A_332, %slice3A_333 : vector<1024x128xf32>
    %lt3A_335 = arith.cmpf olt, %add3A_334, %select_n3A_320 : vector<1024x128xf32>
    %select_n3A_336 = arith.select %lt3A_335, %add3A_334, %select_n3A_320 : vector<1024x128xi1>, vector<1024x128xf32>
    %broadcast_in_dim3A_337 = vector.shape_cast %get3A_329 : vector<1x128xf32> to vector<1x128xf32>
    %broadcast_in_dim3A_338 = vector.broadcast %broadcast_in_dim3A_337 : vector<1x128xf32> to vector<1024x128xf32>
    %select_n3A_339 = arith.select %lt3A_335, %broadcast_in_dim3A_338, %select_n3A_323 : vector<1024x128xi1>, vector<1024x128xf32>
    %get3A_340 = arith.constant 0 : index
    %get3A_341 = arith.constant 2560 : index
    %get3A_342 = vector.load %arg4[%get3A_340, %get3A_341] : memref<1x8192xf32, #tpu.memory_space<vmem>>, vector<1x128xf32>
    %get3A_343 = arith.constant 0 : index
    %get3A_344 = arith.constant 2560 : index
    %get3A_345 = vector.load %arg5[%get3A_343, %get3A_344] : memref<1x8192xf32, #tpu.memory_space<vmem>>, vector<1x128xf32>
    %add3A_346 = vector.broadcast %transpose3A : vector<1024x1xf32> to vector<1024x128xf32>
    %add3A_347 = vector.broadcast %get3A_342 : vector<1x128xf32> to vector<1024x128xf32>
    %add3A_348 = arith.addf %add3A_346, %add3A_347 : vector<1024x128xf32>
    %slice3A_349 = vector.extract_strided_slice %dot_general3A_275 {offsets = [0, 512], sizes = [1024, 128], strides = [1, 1]} : vector<1024x1024xf32> to vector<1024x128xf32>
    %add3A_350 = arith.addf %add3A_348, %slice3A_349 : vector<1024x128xf32>
    %lt3A_351 = arith.cmpf olt, %add3A_350, %select_n3A_336 : vector<1024x128xf32>
    %select_n3A_352 = arith.select %lt3A_351, %add3A_350, %select_n3A_336 : vector<1024x128xi1>, vector<1024x128xf32>
    %broadcast_in_dim3A_353 = vector.shape_cast %get3A_345 : vector<1x128xf32> to vector<1x128xf32>
    %broadcast_in_dim3A_354 = vector.broadcast %broadcast_in_dim3A_353 : vector<1x128xf32> to vector<1024x128xf32>
    %select_n3A_355 = arith.select %lt3A_351, %broadcast_in_dim3A_354, %select_n3A_339 : vector<1024x128xi1>, vector<1024x128xf32>
    %get3A_356 = arith.constant 0 : index
    %get3A_357 = arith.constant 2688 : index
    %get3A_358 = vector.load %arg4[%get3A_356, %get3A_357] : memref<1x8192xf32, #tpu.memory_space<vmem>>, vector<1x128xf32>
    %get3A_359 = arith.constant 0 : index
    %get3A_360 = arith.constant 2688 : index
    %get3A_361 = vector.load %arg5[%get3A_359, %get3A_360] : memref<1x8192xf32, #tpu.memory_space<vmem>>, vector<1x128xf32>
    %add3A_362 = vector.broadcast %transpose3A : vector<1024x1xf32> to vector<1024x128xf32>
    %add3A_363 = vector.broadcast %get3A_358 : vector<1x128xf32> to vector<1024x128xf32>
    %add3A_364 = arith.addf %add3A_362, %add3A_363 : vector<1024x128xf32>
    %slice3A_365 = vector.extract_strided_slice %dot_general3A_275 {offsets = [0, 640], sizes = [1024, 128], strides = [1, 1]} : vector<1024x1024xf32> to vector<1024x128xf32>
    %add3A_366 = arith.addf %add3A_364, %slice3A_365 : vector<1024x128xf32>
    %lt3A_367 = arith.cmpf olt, %add3A_366, %select_n3A_352 : vector<1024x128xf32>
    %select_n3A_368 = arith.select %lt3A_367, %add3A_366, %select_n3A_352 : vector<1024x128xi1>, vector<1024x128xf32>
    %broadcast_in_dim3A_369 = vector.shape_cast %get3A_361 : vector<1x128xf32> to vector<1x128xf32>
    %broadcast_in_dim3A_370 = vector.broadcast %broadcast_in_dim3A_369 : vector<1x128xf32> to vector<1024x128xf32>
    %select_n3A_371 = arith.select %lt3A_367, %broadcast_in_dim3A_370, %select_n3A_355 : vector<1024x128xi1>, vector<1024x128xf32>
    %get3A_372 = arith.constant 0 : index
    %get3A_373 = arith.constant 2816 : index
    %get3A_374 = vector.load %arg4[%get3A_372, %get3A_373] : memref<1x8192xf32, #tpu.memory_space<vmem>>, vector<1x128xf32>
    %get3A_375 = arith.constant 0 : index
    %get3A_376 = arith.constant 2816 : index
    %get3A_377 = vector.load %arg5[%get3A_375, %get3A_376] : memref<1x8192xf32, #tpu.memory_space<vmem>>, vector<1x128xf32>
    %add3A_378 = vector.broadcast %transpose3A : vector<1024x1xf32> to vector<1024x128xf32>
    %add3A_379 = vector.broadcast %get3A_374 : vector<1x128xf32> to vector<1024x128xf32>
    %add3A_380 = arith.addf %add3A_378, %add3A_379 : vector<1024x128xf32>
    %slice3A_381 = vector.extract_strided_slice %dot_general3A_275 {offsets = [0, 768], sizes = [1024, 128], strides = [1, 1]} : vector<1024x1024xf32> to vector<1024x128xf32>
    %add3A_382 = arith.addf %add3A_380, %slice3A_381 : vector<1024x128xf32>
    %lt3A_383 = arith.cmpf olt, %add3A_382, %select_n3A_368 : vector<1024x128xf32>
    %select_n3A_384 = arith.select %lt3A_383, %add3A_382, %select_n3A_368 : vector<1024x128xi1>, vector<1024x128xf32>
    %broadcast_in_dim3A_385 = vector.shape_cast %get3A_377 : vector<1x128xf32> to vector<1x128xf32>
    %broadcast_in_dim3A_386 = vector.broadcast %broadcast_in_dim3A_385 : vector<1x128xf32> to vector<1024x128xf32>
    %select_n3A_387 = arith.select %lt3A_383, %broadcast_in_dim3A_386, %select_n3A_371 : vector<1024x128xi1>, vector<1024x128xf32>
    %get3A_388 = arith.constant 0 : index
    %get3A_389 = arith.constant 2944 : index
    %get3A_390 = vector.load %arg4[%get3A_388, %get3A_389] : memref<1x8192xf32, #tpu.memory_space<vmem>>, vector<1x128xf32>
    %get3A_391 = arith.constant 0 : index
    %get3A_392 = arith.constant 2944 : index
    %get3A_393 = vector.load %arg5[%get3A_391, %get3A_392] : memref<1x8192xf32, #tpu.memory_space<vmem>>, vector<1x128xf32>
    %add3A_394 = vector.broadcast %transpose3A : vector<1024x1xf32> to vector<1024x128xf32>
    %add3A_395 = vector.broadcast %get3A_390 : vector<1x128xf32> to vector<1024x128xf32>
    %add3A_396 = arith.addf %add3A_394, %add3A_395 : vector<1024x128xf32>
    %slice3A_397 = vector.extract_strided_slice %dot_general3A_275 {offsets = [0, 896], sizes = [1024, 128], strides = [1, 1]} : vector<1024x1024xf32> to vector<1024x128xf32>
    %add3A_398 = arith.addf %add3A_396, %slice3A_397 : vector<1024x128xf32>
    %lt3A_399 = arith.cmpf olt, %add3A_398, %select_n3A_384 : vector<1024x128xf32>
    %select_n3A_400 = arith.select %lt3A_399, %add3A_398, %select_n3A_384 : vector<1024x128xi1>, vector<1024x128xf32>
    %broadcast_in_dim3A_401 = vector.shape_cast %get3A_393 : vector<1x128xf32> to vector<1x128xf32>
    %broadcast_in_dim3A_402 = vector.broadcast %broadcast_in_dim3A_401 : vector<1x128xf32> to vector<1024x128xf32>
    %select_n3A_403 = arith.select %lt3A_399, %broadcast_in_dim3A_402, %select_n3A_387 : vector<1024x128xi1>, vector<1024x128xf32>
    %get3A_404 = arith.constant 3072 : index
    %get3A_405 = arith.constant 0 : index
    %get3A_406 = vector.load %arg2[%get3A_404, %get3A_405] : memref<8192x32xf32, #tpu.memory_space<vmem>>, vector<1024x32xf32>
    %dot_general3A_407 = arith.constant dense<0.000000e+00> : vector<1024x1024xf32>
    %dot_general3A_408 = tpu.matmul %mul3A_3, %get3A_406, %dot_general3A_407 {dimension_numbers = #tpu.dot_dimension_numbers<[0], [1], [1], [0], [0, 1, 1, 0], [], []>, transpose_lhs_hint = false} : vector<32x1024xf32>, vector<1024x32xf32>, vector<1024x1024xf32> -> vector<1024x1024xf32>
    %get3A_409 = arith.constant 0 : index
    %get3A_410 = arith.constant 3072 : index
    %get3A_411 = vector.load %arg4[%get3A_409, %get3A_410] : memref<1x8192xf32, #tpu.memory_space<vmem>>, vector<1x128xf32>
    %get3A_412 = arith.constant 0 : index
    %get3A_413 = arith.constant 3072 : index
    %get3A_414 = vector.load %arg5[%get3A_412, %get3A_413] : memref<1x8192xf32, #tpu.memory_space<vmem>>, vector<1x128xf32>
    %add3A_415 = vector.broadcast %transpose3A : vector<1024x1xf32> to vector<1024x128xf32>
    %add3A_416 = vector.broadcast %get3A_411 : vector<1x128xf32> to vector<1024x128xf32>
    %add3A_417 = arith.addf %add3A_415, %add3A_416 : vector<1024x128xf32>
    %slice3A_418 = vector.extract_strided_slice %dot_general3A_408 {offsets = [0, 0], sizes = [1024, 128], strides = [1, 1]} : vector<1024x1024xf32> to vector<1024x128xf32>
    %add3A_419 = arith.addf %add3A_417, %slice3A_418 : vector<1024x128xf32>
    %lt3A_420 = arith.cmpf olt, %add3A_419, %select_n3A_400 : vector<1024x128xf32>
    %select_n3A_421 = arith.select %lt3A_420, %add3A_419, %select_n3A_400 : vector<1024x128xi1>, vector<1024x128xf32>
    %broadcast_in_dim3A_422 = vector.shape_cast %get3A_414 : vector<1x128xf32> to vector<1x128xf32>
    %broadcast_in_dim3A_423 = vector.broadcast %broadcast_in_dim3A_422 : vector<1x128xf32> to vector<1024x128xf32>
    %select_n3A_424 = arith.select %lt3A_420, %broadcast_in_dim3A_423, %select_n3A_403 : vector<1024x128xi1>, vector<1024x128xf32>
    %get3A_425 = arith.constant 0 : index
    %get3A_426 = arith.constant 3200 : index
    %get3A_427 = vector.load %arg4[%get3A_425, %get3A_426] : memref<1x8192xf32, #tpu.memory_space<vmem>>, vector<1x128xf32>
    %get3A_428 = arith.constant 0 : index
    %get3A_429 = arith.constant 3200 : index
    %get3A_430 = vector.load %arg5[%get3A_428, %get3A_429] : memref<1x8192xf32, #tpu.memory_space<vmem>>, vector<1x128xf32>
    %add3A_431 = vector.broadcast %transpose3A : vector<1024x1xf32> to vector<1024x128xf32>
    %add3A_432 = vector.broadcast %get3A_427 : vector<1x128xf32> to vector<1024x128xf32>
    %add3A_433 = arith.addf %add3A_431, %add3A_432 : vector<1024x128xf32>
    %slice3A_434 = vector.extract_strided_slice %dot_general3A_408 {offsets = [0, 128], sizes = [1024, 128], strides = [1, 1]} : vector<1024x1024xf32> to vector<1024x128xf32>
    %add3A_435 = arith.addf %add3A_433, %slice3A_434 : vector<1024x128xf32>
    %lt3A_436 = arith.cmpf olt, %add3A_435, %select_n3A_421 : vector<1024x128xf32>
    %select_n3A_437 = arith.select %lt3A_436, %add3A_435, %select_n3A_421 : vector<1024x128xi1>, vector<1024x128xf32>
    %broadcast_in_dim3A_438 = vector.shape_cast %get3A_430 : vector<1x128xf32> to vector<1x128xf32>
    %broadcast_in_dim3A_439 = vector.broadcast %broadcast_in_dim3A_438 : vector<1x128xf32> to vector<1024x128xf32>
    %select_n3A_440 = arith.select %lt3A_436, %broadcast_in_dim3A_439, %select_n3A_424 : vector<1024x128xi1>, vector<1024x128xf32>
    %get3A_441 = arith.constant 0 : index
    %get3A_442 = arith.constant 3328 : index
    %get3A_443 = vector.load %arg4[%get3A_441, %get3A_442] : memref<1x8192xf32, #tpu.memory_space<vmem>>, vector<1x128xf32>
    %get3A_444 = arith.constant 0 : index
    %get3A_445 = arith.constant 3328 : index
    %get3A_446 = vector.load %arg5[%get3A_444, %get3A_445] : memref<1x8192xf32, #tpu.memory_space<vmem>>, vector<1x128xf32>
    %add3A_447 = vector.broadcast %transpose3A : vector<1024x1xf32> to vector<1024x128xf32>
    %add3A_448 = vector.broadcast %get3A_443 : vector<1x128xf32> to vector<1024x128xf32>
    %add3A_449 = arith.addf %add3A_447, %add3A_448 : vector<1024x128xf32>
    %slice3A_450 = vector.extract_strided_slice %dot_general3A_408 {offsets = [0, 256], sizes = [1024, 128], strides = [1, 1]} : vector<1024x1024xf32> to vector<1024x128xf32>
    %add3A_451 = arith.addf %add3A_449, %slice3A_450 : vector<1024x128xf32>
    %lt3A_452 = arith.cmpf olt, %add3A_451, %select_n3A_437 : vector<1024x128xf32>
    %select_n3A_453 = arith.select %lt3A_452, %add3A_451, %select_n3A_437 : vector<1024x128xi1>, vector<1024x128xf32>
    %broadcast_in_dim3A_454 = vector.shape_cast %get3A_446 : vector<1x128xf32> to vector<1x128xf32>
    %broadcast_in_dim3A_455 = vector.broadcast %broadcast_in_dim3A_454 : vector<1x128xf32> to vector<1024x128xf32>
    %select_n3A_456 = arith.select %lt3A_452, %broadcast_in_dim3A_455, %select_n3A_440 : vector<1024x128xi1>, vector<1024x128xf32>
    %get3A_457 = arith.constant 0 : index
    %get3A_458 = arith.constant 3456 : index
    %get3A_459 = vector.load %arg4[%get3A_457, %get3A_458] : memref<1x8192xf32, #tpu.memory_space<vmem>>, vector<1x128xf32>
    %get3A_460 = arith.constant 0 : index
    %get3A_461 = arith.constant 3456 : index
    %get3A_462 = vector.load %arg5[%get3A_460, %get3A_461] : memref<1x8192xf32, #tpu.memory_space<vmem>>, vector<1x128xf32>
    %add3A_463 = vector.broadcast %transpose3A : vector<1024x1xf32> to vector<1024x128xf32>
    %add3A_464 = vector.broadcast %get3A_459 : vector<1x128xf32> to vector<1024x128xf32>
    %add3A_465 = arith.addf %add3A_463, %add3A_464 : vector<1024x128xf32>
    %slice3A_466 = vector.extract_strided_slice %dot_general3A_408 {offsets = [0, 384], sizes = [1024, 128], strides = [1, 1]} : vector<1024x1024xf32> to vector<1024x128xf32>
    %add3A_467 = arith.addf %add3A_465, %slice3A_466 : vector<1024x128xf32>
    %lt3A_468 = arith.cmpf olt, %add3A_467, %select_n3A_453 : vector<1024x128xf32>
    %select_n3A_469 = arith.select %lt3A_468, %add3A_467, %select_n3A_453 : vector<1024x128xi1>, vector<1024x128xf32>
    %broadcast_in_dim3A_470 = vector.shape_cast %get3A_462 : vector<1x128xf32> to vector<1x128xf32>
    %broadcast_in_dim3A_471 = vector.broadcast %broadcast_in_dim3A_470 : vector<1x128xf32> to vector<1024x128xf32>
    %select_n3A_472 = arith.select %lt3A_468, %broadcast_in_dim3A_471, %select_n3A_456 : vector<1024x128xi1>, vector<1024x128xf32>
    %get3A_473 = arith.constant 0 : index
    %get3A_474 = arith.constant 3584 : index
    %get3A_475 = vector.load %arg4[%get3A_473, %get3A_474] : memref<1x8192xf32, #tpu.memory_space<vmem>>, vector<1x128xf32>
    %get3A_476 = arith.constant 0 : index
    %get3A_477 = arith.constant 3584 : index
    %get3A_478 = vector.load %arg5[%get3A_476, %get3A_477] : memref<1x8192xf32, #tpu.memory_space<vmem>>, vector<1x128xf32>
    %add3A_479 = vector.broadcast %transpose3A : vector<1024x1xf32> to vector<1024x128xf32>
    %add3A_480 = vector.broadcast %get3A_475 : vector<1x128xf32> to vector<1024x128xf32>
    %add3A_481 = arith.addf %add3A_479, %add3A_480 : vector<1024x128xf32>
    %slice3A_482 = vector.extract_strided_slice %dot_general3A_408 {offsets = [0, 512], sizes = [1024, 128], strides = [1, 1]} : vector<1024x1024xf32> to vector<1024x128xf32>
    %add3A_483 = arith.addf %add3A_481, %slice3A_482 : vector<1024x128xf32>
    %lt3A_484 = arith.cmpf olt, %add3A_483, %select_n3A_469 : vector<1024x128xf32>
    %select_n3A_485 = arith.select %lt3A_484, %add3A_483, %select_n3A_469 : vector<1024x128xi1>, vector<1024x128xf32>
    %broadcast_in_dim3A_486 = vector.shape_cast %get3A_478 : vector<1x128xf32> to vector<1x128xf32>
    %broadcast_in_dim3A_487 = vector.broadcast %broadcast_in_dim3A_486 : vector<1x128xf32> to vector<1024x128xf32>
    %select_n3A_488 = arith.select %lt3A_484, %broadcast_in_dim3A_487, %select_n3A_472 : vector<1024x128xi1>, vector<1024x128xf32>
    %get3A_489 = arith.constant 0 : index
    %get3A_490 = arith.constant 3712 : index
    %get3A_491 = vector.load %arg4[%get3A_489, %get3A_490] : memref<1x8192xf32, #tpu.memory_space<vmem>>, vector<1x128xf32>
    %get3A_492 = arith.constant 0 : index
    %get3A_493 = arith.constant 3712 : index
    %get3A_494 = vector.load %arg5[%get3A_492, %get3A_493] : memref<1x8192xf32, #tpu.memory_space<vmem>>, vector<1x128xf32>
    %add3A_495 = vector.broadcast %transpose3A : vector<1024x1xf32> to vector<1024x128xf32>
    %add3A_496 = vector.broadcast %get3A_491 : vector<1x128xf32> to vector<1024x128xf32>
    %add3A_497 = arith.addf %add3A_495, %add3A_496 : vector<1024x128xf32>
    %slice3A_498 = vector.extract_strided_slice %dot_general3A_408 {offsets = [0, 640], sizes = [1024, 128], strides = [1, 1]} : vector<1024x1024xf32> to vector<1024x128xf32>
    %add3A_499 = arith.addf %add3A_497, %slice3A_498 : vector<1024x128xf32>
    %lt3A_500 = arith.cmpf olt, %add3A_499, %select_n3A_485 : vector<1024x128xf32>
    %select_n3A_501 = arith.select %lt3A_500, %add3A_499, %select_n3A_485 : vector<1024x128xi1>, vector<1024x128xf32>
    %broadcast_in_dim3A_502 = vector.shape_cast %get3A_494 : vector<1x128xf32> to vector<1x128xf32>
    %broadcast_in_dim3A_503 = vector.broadcast %broadcast_in_dim3A_502 : vector<1x128xf32> to vector<1024x128xf32>
    %select_n3A_504 = arith.select %lt3A_500, %broadcast_in_dim3A_503, %select_n3A_488 : vector<1024x128xi1>, vector<1024x128xf32>
    %get3A_505 = arith.constant 0 : index
    %get3A_506 = arith.constant 3840 : index
    %get3A_507 = vector.load %arg4[%get3A_505, %get3A_506] : memref<1x8192xf32, #tpu.memory_space<vmem>>, vector<1x128xf32>
    %get3A_508 = arith.constant 0 : index
    %get3A_509 = arith.constant 3840 : index
    %get3A_510 = vector.load %arg5[%get3A_508, %get3A_509] : memref<1x8192xf32, #tpu.memory_space<vmem>>, vector<1x128xf32>
    %add3A_511 = vector.broadcast %transpose3A : vector<1024x1xf32> to vector<1024x128xf32>
    %add3A_512 = vector.broadcast %get3A_507 : vector<1x128xf32> to vector<1024x128xf32>
    %add3A_513 = arith.addf %add3A_511, %add3A_512 : vector<1024x128xf32>
    %slice3A_514 = vector.extract_strided_slice %dot_general3A_408 {offsets = [0, 768], sizes = [1024, 128], strides = [1, 1]} : vector<1024x1024xf32> to vector<1024x128xf32>
    %add3A_515 = arith.addf %add3A_513, %slice3A_514 : vector<1024x128xf32>
    %lt3A_516 = arith.cmpf olt, %add3A_515, %select_n3A_501 : vector<1024x128xf32>
    %select_n3A_517 = arith.select %lt3A_516, %add3A_515, %select_n3A_501 : vector<1024x128xi1>, vector<1024x128xf32>
    %broadcast_in_dim3A_518 = vector.shape_cast %get3A_510 : vector<1x128xf32> to vector<1x128xf32>
    %broadcast_in_dim3A_519 = vector.broadcast %broadcast_in_dim3A_518 : vector<1x128xf32> to vector<1024x128xf32>
    %select_n3A_520 = arith.select %lt3A_516, %broadcast_in_dim3A_519, %select_n3A_504 : vector<1024x128xi1>, vector<1024x128xf32>
    %get3A_521 = arith.constant 0 : index
    %get3A_522 = arith.constant 3968 : index
    %get3A_523 = vector.load %arg4[%get3A_521, %get3A_522] : memref<1x8192xf32, #tpu.memory_space<vmem>>, vector<1x128xf32>
    %get3A_524 = arith.constant 0 : index
    %get3A_525 = arith.constant 3968 : index
    %get3A_526 = vector.load %arg5[%get3A_524, %get3A_525] : memref<1x8192xf32, #tpu.memory_space<vmem>>, vector<1x128xf32>
    %add3A_527 = vector.broadcast %transpose3A : vector<1024x1xf32> to vector<1024x128xf32>
    %add3A_528 = vector.broadcast %get3A_523 : vector<1x128xf32> to vector<1024x128xf32>
    %add3A_529 = arith.addf %add3A_527, %add3A_528 : vector<1024x128xf32>
    %slice3A_530 = vector.extract_strided_slice %dot_general3A_408 {offsets = [0, 896], sizes = [1024, 128], strides = [1, 1]} : vector<1024x1024xf32> to vector<1024x128xf32>
    %add3A_531 = arith.addf %add3A_529, %slice3A_530 : vector<1024x128xf32>
    %lt3A_532 = arith.cmpf olt, %add3A_531, %select_n3A_517 : vector<1024x128xf32>
    %select_n3A_533 = arith.select %lt3A_532, %add3A_531, %select_n3A_517 : vector<1024x128xi1>, vector<1024x128xf32>
    %broadcast_in_dim3A_534 = vector.shape_cast %get3A_526 : vector<1x128xf32> to vector<1x128xf32>
    %broadcast_in_dim3A_535 = vector.broadcast %broadcast_in_dim3A_534 : vector<1x128xf32> to vector<1024x128xf32>
    %select_n3A_536 = arith.select %lt3A_532, %broadcast_in_dim3A_535, %select_n3A_520 : vector<1024x128xi1>, vector<1024x128xf32>
    %get3A_537 = arith.constant 4096 : index
    %get3A_538 = arith.constant 0 : index
    %get3A_539 = vector.load %arg2[%get3A_537, %get3A_538] : memref<8192x32xf32, #tpu.memory_space<vmem>>, vector<1024x32xf32>
    %dot_general3A_540 = arith.constant dense<0.000000e+00> : vector<1024x1024xf32>
    %dot_general3A_541 = tpu.matmul %mul3A_3, %get3A_539, %dot_general3A_540 {dimension_numbers = #tpu.dot_dimension_numbers<[0], [1], [1], [0], [0, 1, 1, 0], [], []>, transpose_lhs_hint = false} : vector<32x1024xf32>, vector<1024x32xf32>, vector<1024x1024xf32> -> vector<1024x1024xf32>
    %get3A_542 = arith.constant 0 : index
    %get3A_543 = arith.constant 4096 : index
    %get3A_544 = vector.load %arg4[%get3A_542, %get3A_543] : memref<1x8192xf32, #tpu.memory_space<vmem>>, vector<1x128xf32>
    %get3A_545 = arith.constant 0 : index
    %get3A_546 = arith.constant 4096 : index
    %get3A_547 = vector.load %arg5[%get3A_545, %get3A_546] : memref<1x8192xf32, #tpu.memory_space<vmem>>, vector<1x128xf32>
    %add3A_548 = vector.broadcast %transpose3A : vector<1024x1xf32> to vector<1024x128xf32>
    %add3A_549 = vector.broadcast %get3A_544 : vector<1x128xf32> to vector<1024x128xf32>
    %add3A_550 = arith.addf %add3A_548, %add3A_549 : vector<1024x128xf32>
    %slice3A_551 = vector.extract_strided_slice %dot_general3A_541 {offsets = [0, 0], sizes = [1024, 128], strides = [1, 1]} : vector<1024x1024xf32> to vector<1024x128xf32>
    %add3A_552 = arith.addf %add3A_550, %slice3A_551 : vector<1024x128xf32>
    %lt3A_553 = arith.cmpf olt, %add3A_552, %select_n3A_533 : vector<1024x128xf32>
    %select_n3A_554 = arith.select %lt3A_553, %add3A_552, %select_n3A_533 : vector<1024x128xi1>, vector<1024x128xf32>
    %broadcast_in_dim3A_555 = vector.shape_cast %get3A_547 : vector<1x128xf32> to vector<1x128xf32>
    %broadcast_in_dim3A_556 = vector.broadcast %broadcast_in_dim3A_555 : vector<1x128xf32> to vector<1024x128xf32>
    %select_n3A_557 = arith.select %lt3A_553, %broadcast_in_dim3A_556, %select_n3A_536 : vector<1024x128xi1>, vector<1024x128xf32>
    %get3A_558 = arith.constant 0 : index
    %get3A_559 = arith.constant 4224 : index
    %get3A_560 = vector.load %arg4[%get3A_558, %get3A_559] : memref<1x8192xf32, #tpu.memory_space<vmem>>, vector<1x128xf32>
    %get3A_561 = arith.constant 0 : index
    %get3A_562 = arith.constant 4224 : index
    %get3A_563 = vector.load %arg5[%get3A_561, %get3A_562] : memref<1x8192xf32, #tpu.memory_space<vmem>>, vector<1x128xf32>
    %add3A_564 = vector.broadcast %transpose3A : vector<1024x1xf32> to vector<1024x128xf32>
    %add3A_565 = vector.broadcast %get3A_560 : vector<1x128xf32> to vector<1024x128xf32>
    %add3A_566 = arith.addf %add3A_564, %add3A_565 : vector<1024x128xf32>
    %slice3A_567 = vector.extract_strided_slice %dot_general3A_541 {offsets = [0, 128], sizes = [1024, 128], strides = [1, 1]} : vector<1024x1024xf32> to vector<1024x128xf32>
    %add3A_568 = arith.addf %add3A_566, %slice3A_567 : vector<1024x128xf32>
    %lt3A_569 = arith.cmpf olt, %add3A_568, %select_n3A_554 : vector<1024x128xf32>
    %select_n3A_570 = arith.select %lt3A_569, %add3A_568, %select_n3A_554 : vector<1024x128xi1>, vector<1024x128xf32>
    %broadcast_in_dim3A_571 = vector.shape_cast %get3A_563 : vector<1x128xf32> to vector<1x128xf32>
    %broadcast_in_dim3A_572 = vector.broadcast %broadcast_in_dim3A_571 : vector<1x128xf32> to vector<1024x128xf32>
    %select_n3A_573 = arith.select %lt3A_569, %broadcast_in_dim3A_572, %select_n3A_557 : vector<1024x128xi1>, vector<1024x128xf32>
    %get3A_574 = arith.constant 0 : index
    %get3A_575 = arith.constant 4352 : index
    %get3A_576 = vector.load %arg4[%get3A_574, %get3A_575] : memref<1x8192xf32, #tpu.memory_space<vmem>>, vector<1x128xf32>
    %get3A_577 = arith.constant 0 : index
    %get3A_578 = arith.constant 4352 : index
    %get3A_579 = vector.load %arg5[%get3A_577, %get3A_578] : memref<1x8192xf32, #tpu.memory_space<vmem>>, vector<1x128xf32>
    %add3A_580 = vector.broadcast %transpose3A : vector<1024x1xf32> to vector<1024x128xf32>
    %add3A_581 = vector.broadcast %get3A_576 : vector<1x128xf32> to vector<1024x128xf32>
    %add3A_582 = arith.addf %add3A_580, %add3A_581 : vector<1024x128xf32>
    %slice3A_583 = vector.extract_strided_slice %dot_general3A_541 {offsets = [0, 256], sizes = [1024, 128], strides = [1, 1]} : vector<1024x1024xf32> to vector<1024x128xf32>
    %add3A_584 = arith.addf %add3A_582, %slice3A_583 : vector<1024x128xf32>
    %lt3A_585 = arith.cmpf olt, %add3A_584, %select_n3A_570 : vector<1024x128xf32>
    %select_n3A_586 = arith.select %lt3A_585, %add3A_584, %select_n3A_570 : vector<1024x128xi1>, vector<1024x128xf32>
    %broadcast_in_dim3A_587 = vector.shape_cast %get3A_579 : vector<1x128xf32> to vector<1x128xf32>
    %broadcast_in_dim3A_588 = vector.broadcast %broadcast_in_dim3A_587 : vector<1x128xf32> to vector<1024x128xf32>
    %select_n3A_589 = arith.select %lt3A_585, %broadcast_in_dim3A_588, %select_n3A_573 : vector<1024x128xi1>, vector<1024x128xf32>
    %get3A_590 = arith.constant 0 : index
    %get3A_591 = arith.constant 4480 : index
    %get3A_592 = vector.load %arg4[%get3A_590, %get3A_591] : memref<1x8192xf32, #tpu.memory_space<vmem>>, vector<1x128xf32>
    %get3A_593 = arith.constant 0 : index
    %get3A_594 = arith.constant 4480 : index
    %get3A_595 = vector.load %arg5[%get3A_593, %get3A_594] : memref<1x8192xf32, #tpu.memory_space<vmem>>, vector<1x128xf32>
    %add3A_596 = vector.broadcast %transpose3A : vector<1024x1xf32> to vector<1024x128xf32>
    %add3A_597 = vector.broadcast %get3A_592 : vector<1x128xf32> to vector<1024x128xf32>
    %add3A_598 = arith.addf %add3A_596, %add3A_597 : vector<1024x128xf32>
    %slice3A_599 = vector.extract_strided_slice %dot_general3A_541 {offsets = [0, 384], sizes = [1024, 128], strides = [1, 1]} : vector<1024x1024xf32> to vector<1024x128xf32>
    %add3A_600 = arith.addf %add3A_598, %slice3A_599 : vector<1024x128xf32>
    %lt3A_601 = arith.cmpf olt, %add3A_600, %select_n3A_586 : vector<1024x128xf32>
    %select_n3A_602 = arith.select %lt3A_601, %add3A_600, %select_n3A_586 : vector<1024x128xi1>, vector<1024x128xf32>
    %broadcast_in_dim3A_603 = vector.shape_cast %get3A_595 : vector<1x128xf32> to vector<1x128xf32>
    %broadcast_in_dim3A_604 = vector.broadcast %broadcast_in_dim3A_603 : vector<1x128xf32> to vector<1024x128xf32>
    %select_n3A_605 = arith.select %lt3A_601, %broadcast_in_dim3A_604, %select_n3A_589 : vector<1024x128xi1>, vector<1024x128xf32>
    %get3A_606 = arith.constant 0 : index
    %get3A_607 = arith.constant 4608 : index
    %get3A_608 = vector.load %arg4[%get3A_606, %get3A_607] : memref<1x8192xf32, #tpu.memory_space<vmem>>, vector<1x128xf32>
    %get3A_609 = arith.constant 0 : index
    %get3A_610 = arith.constant 4608 : index
    %get3A_611 = vector.load %arg5[%get3A_609, %get3A_610] : memref<1x8192xf32, #tpu.memory_space<vmem>>, vector<1x128xf32>
    %add3A_612 = vector.broadcast %transpose3A : vector<1024x1xf32> to vector<1024x128xf32>
    %add3A_613 = vector.broadcast %get3A_608 : vector<1x128xf32> to vector<1024x128xf32>
    %add3A_614 = arith.addf %add3A_612, %add3A_613 : vector<1024x128xf32>
    %slice3A_615 = vector.extract_strided_slice %dot_general3A_541 {offsets = [0, 512], sizes = [1024, 128], strides = [1, 1]} : vector<1024x1024xf32> to vector<1024x128xf32>
    %add3A_616 = arith.addf %add3A_614, %slice3A_615 : vector<1024x128xf32>
    %lt3A_617 = arith.cmpf olt, %add3A_616, %select_n3A_602 : vector<1024x128xf32>
    %select_n3A_618 = arith.select %lt3A_617, %add3A_616, %select_n3A_602 : vector<1024x128xi1>, vector<1024x128xf32>
    %broadcast_in_dim3A_619 = vector.shape_cast %get3A_611 : vector<1x128xf32> to vector<1x128xf32>
    %broadcast_in_dim3A_620 = vector.broadcast %broadcast_in_dim3A_619 : vector<1x128xf32> to vector<1024x128xf32>
    %select_n3A_621 = arith.select %lt3A_617, %broadcast_in_dim3A_620, %select_n3A_605 : vector<1024x128xi1>, vector<1024x128xf32>
    %get3A_622 = arith.constant 0 : index
    %get3A_623 = arith.constant 4736 : index
    %get3A_624 = vector.load %arg4[%get3A_622, %get3A_623] : memref<1x8192xf32, #tpu.memory_space<vmem>>, vector<1x128xf32>
    %get3A_625 = arith.constant 0 : index
    %get3A_626 = arith.constant 4736 : index
    %get3A_627 = vector.load %arg5[%get3A_625, %get3A_626] : memref<1x8192xf32, #tpu.memory_space<vmem>>, vector<1x128xf32>
    %add3A_628 = vector.broadcast %transpose3A : vector<1024x1xf32> to vector<1024x128xf32>
    %add3A_629 = vector.broadcast %get3A_624 : vector<1x128xf32> to vector<1024x128xf32>
    %add3A_630 = arith.addf %add3A_628, %add3A_629 : vector<1024x128xf32>
    %slice3A_631 = vector.extract_strided_slice %dot_general3A_541 {offsets = [0, 640], sizes = [1024, 128], strides = [1, 1]} : vector<1024x1024xf32> to vector<1024x128xf32>
    %add3A_632 = arith.addf %add3A_630, %slice3A_631 : vector<1024x128xf32>
    %lt3A_633 = arith.cmpf olt, %add3A_632, %select_n3A_618 : vector<1024x128xf32>
    %select_n3A_634 = arith.select %lt3A_633, %add3A_632, %select_n3A_618 : vector<1024x128xi1>, vector<1024x128xf32>
    %broadcast_in_dim3A_635 = vector.shape_cast %get3A_627 : vector<1x128xf32> to vector<1x128xf32>
    %broadcast_in_dim3A_636 = vector.broadcast %broadcast_in_dim3A_635 : vector<1x128xf32> to vector<1024x128xf32>
    %select_n3A_637 = arith.select %lt3A_633, %broadcast_in_dim3A_636, %select_n3A_621 : vector<1024x128xi1>, vector<1024x128xf32>
    %get3A_638 = arith.constant 0 : index
    %get3A_639 = arith.constant 4864 : index
    %get3A_640 = vector.load %arg4[%get3A_638, %get3A_639] : memref<1x8192xf32, #tpu.memory_space<vmem>>, vector<1x128xf32>
    %get3A_641 = arith.constant 0 : index
    %get3A_642 = arith.constant 4864 : index
    %get3A_643 = vector.load %arg5[%get3A_641, %get3A_642] : memref<1x8192xf32, #tpu.memory_space<vmem>>, vector<1x128xf32>
    %add3A_644 = vector.broadcast %transpose3A : vector<1024x1xf32> to vector<1024x128xf32>
    %add3A_645 = vector.broadcast %get3A_640 : vector<1x128xf32> to vector<1024x128xf32>
    %add3A_646 = arith.addf %add3A_644, %add3A_645 : vector<1024x128xf32>
    %slice3A_647 = vector.extract_strided_slice %dot_general3A_541 {offsets = [0, 768], sizes = [1024, 128], strides = [1, 1]} : vector<1024x1024xf32> to vector<1024x128xf32>
    %add3A_648 = arith.addf %add3A_646, %slice3A_647 : vector<1024x128xf32>
    %lt3A_649 = arith.cmpf olt, %add3A_648, %select_n3A_634 : vector<1024x128xf32>
    %select_n3A_650 = arith.select %lt3A_649, %add3A_648, %select_n3A_634 : vector<1024x128xi1>, vector<1024x128xf32>
    %broadcast_in_dim3A_651 = vector.shape_cast %get3A_643 : vector<1x128xf32> to vector<1x128xf32>
    %broadcast_in_dim3A_652 = vector.broadcast %broadcast_in_dim3A_651 : vector<1x128xf32> to vector<1024x128xf32>
    %select_n3A_653 = arith.select %lt3A_649, %broadcast_in_dim3A_652, %select_n3A_637 : vector<1024x128xi1>, vector<1024x128xf32>
    %get3A_654 = arith.constant 0 : index
    %get3A_655 = arith.constant 4992 : index
    %get3A_656 = vector.load %arg4[%get3A_654, %get3A_655] : memref<1x8192xf32, #tpu.memory_space<vmem>>, vector<1x128xf32>
    %get3A_657 = arith.constant 0 : index
    %get3A_658 = arith.constant 4992 : index
    %get3A_659 = vector.load %arg5[%get3A_657, %get3A_658] : memref<1x8192xf32, #tpu.memory_space<vmem>>, vector<1x128xf32>
    %add3A_660 = vector.broadcast %transpose3A : vector<1024x1xf32> to vector<1024x128xf32>
    %add3A_661 = vector.broadcast %get3A_656 : vector<1x128xf32> to vector<1024x128xf32>
    %add3A_662 = arith.addf %add3A_660, %add3A_661 : vector<1024x128xf32>
    %slice3A_663 = vector.extract_strided_slice %dot_general3A_541 {offsets = [0, 896], sizes = [1024, 128], strides = [1, 1]} : vector<1024x1024xf32> to vector<1024x128xf32>
    %add3A_664 = arith.addf %add3A_662, %slice3A_663 : vector<1024x128xf32>
    %lt3A_665 = arith.cmpf olt, %add3A_664, %select_n3A_650 : vector<1024x128xf32>
    %select_n3A_666 = arith.select %lt3A_665, %add3A_664, %select_n3A_650 : vector<1024x128xi1>, vector<1024x128xf32>
    %broadcast_in_dim3A_667 = vector.shape_cast %get3A_659 : vector<1x128xf32> to vector<1x128xf32>
    %broadcast_in_dim3A_668 = vector.broadcast %broadcast_in_dim3A_667 : vector<1x128xf32> to vector<1024x128xf32>
    %select_n3A_669 = arith.select %lt3A_665, %broadcast_in_dim3A_668, %select_n3A_653 : vector<1024x128xi1>, vector<1024x128xf32>
    %get3A_670 = arith.constant 5120 : index
    %get3A_671 = arith.constant 0 : index
    %get3A_672 = vector.load %arg2[%get3A_670, %get3A_671] : memref<8192x32xf32, #tpu.memory_space<vmem>>, vector<1024x32xf32>
    %dot_general3A_673 = arith.constant dense<0.000000e+00> : vector<1024x1024xf32>
    %dot_general3A_674 = tpu.matmul %mul3A_3, %get3A_672, %dot_general3A_673 {dimension_numbers = #tpu.dot_dimension_numbers<[0], [1], [1], [0], [0, 1, 1, 0], [], []>, transpose_lhs_hint = false} : vector<32x1024xf32>, vector<1024x32xf32>, vector<1024x1024xf32> -> vector<1024x1024xf32>
    %get3A_675 = arith.constant 0 : index
    %get3A_676 = arith.constant 5120 : index
    %get3A_677 = vector.load %arg4[%get3A_675, %get3A_676] : memref<1x8192xf32, #tpu.memory_space<vmem>>, vector<1x128xf32>
    %get3A_678 = arith.constant 0 : index
    %get3A_679 = arith.constant 5120 : index
    %get3A_680 = vector.load %arg5[%get3A_678, %get3A_679] : memref<1x8192xf32, #tpu.memory_space<vmem>>, vector<1x128xf32>
    %add3A_681 = vector.broadcast %transpose3A : vector<1024x1xf32> to vector<1024x128xf32>
    %add3A_682 = vector.broadcast %get3A_677 : vector<1x128xf32> to vector<1024x128xf32>
    %add3A_683 = arith.addf %add3A_681, %add3A_682 : vector<1024x128xf32>
    %slice3A_684 = vector.extract_strided_slice %dot_general3A_674 {offsets = [0, 0], sizes = [1024, 128], strides = [1, 1]} : vector<1024x1024xf32> to vector<1024x128xf32>
    %add3A_685 = arith.addf %add3A_683, %slice3A_684 : vector<1024x128xf32>
    %lt3A_686 = arith.cmpf olt, %add3A_685, %select_n3A_666 : vector<1024x128xf32>
    %select_n3A_687 = arith.select %lt3A_686, %add3A_685, %select_n3A_666 : vector<1024x128xi1>, vector<1024x128xf32>
    %broadcast_in_dim3A_688 = vector.shape_cast %get3A_680 : vector<1x128xf32> to vector<1x128xf32>
    %broadcast_in_dim3A_689 = vector.broadcast %broadcast_in_dim3A_688 : vector<1x128xf32> to vector<1024x128xf32>
    %select_n3A_690 = arith.select %lt3A_686, %broadcast_in_dim3A_689, %select_n3A_669 : vector<1024x128xi1>, vector<1024x128xf32>
    %get3A_691 = arith.constant 0 : index
    %get3A_692 = arith.constant 5248 : index
    %get3A_693 = vector.load %arg4[%get3A_691, %get3A_692] : memref<1x8192xf32, #tpu.memory_space<vmem>>, vector<1x128xf32>
    %get3A_694 = arith.constant 0 : index
    %get3A_695 = arith.constant 5248 : index
    %get3A_696 = vector.load %arg5[%get3A_694, %get3A_695] : memref<1x8192xf32, #tpu.memory_space<vmem>>, vector<1x128xf32>
    %add3A_697 = vector.broadcast %transpose3A : vector<1024x1xf32> to vector<1024x128xf32>
    %add3A_698 = vector.broadcast %get3A_693 : vector<1x128xf32> to vector<1024x128xf32>
    %add3A_699 = arith.addf %add3A_697, %add3A_698 : vector<1024x128xf32>
    %slice3A_700 = vector.extract_strided_slice %dot_general3A_674 {offsets = [0, 128], sizes = [1024, 128], strides = [1, 1]} : vector<1024x1024xf32> to vector<1024x128xf32>
    %add3A_701 = arith.addf %add3A_699, %slice3A_700 : vector<1024x128xf32>
    %lt3A_702 = arith.cmpf olt, %add3A_701, %select_n3A_687 : vector<1024x128xf32>
    %select_n3A_703 = arith.select %lt3A_702, %add3A_701, %select_n3A_687 : vector<1024x128xi1>, vector<1024x128xf32>
    %broadcast_in_dim3A_704 = vector.shape_cast %get3A_696 : vector<1x128xf32> to vector<1x128xf32>
    %broadcast_in_dim3A_705 = vector.broadcast %broadcast_in_dim3A_704 : vector<1x128xf32> to vector<1024x128xf32>
    %select_n3A_706 = arith.select %lt3A_702, %broadcast_in_dim3A_705, %select_n3A_690 : vector<1024x128xi1>, vector<1024x128xf32>
    %get3A_707 = arith.constant 0 : index
    %get3A_708 = arith.constant 5376 : index
    %get3A_709 = vector.load %arg4[%get3A_707, %get3A_708] : memref<1x8192xf32, #tpu.memory_space<vmem>>, vector<1x128xf32>
    %get3A_710 = arith.constant 0 : index
    %get3A_711 = arith.constant 5376 : index
    %get3A_712 = vector.load %arg5[%get3A_710, %get3A_711] : memref<1x8192xf32, #tpu.memory_space<vmem>>, vector<1x128xf32>
    %add3A_713 = vector.broadcast %transpose3A : vector<1024x1xf32> to vector<1024x128xf32>
    %add3A_714 = vector.broadcast %get3A_709 : vector<1x128xf32> to vector<1024x128xf32>
    %add3A_715 = arith.addf %add3A_713, %add3A_714 : vector<1024x128xf32>
    %slice3A_716 = vector.extract_strided_slice %dot_general3A_674 {offsets = [0, 256], sizes = [1024, 128], strides = [1, 1]} : vector<1024x1024xf32> to vector<1024x128xf32>
    %add3A_717 = arith.addf %add3A_715, %slice3A_716 : vector<1024x128xf32>
    %lt3A_718 = arith.cmpf olt, %add3A_717, %select_n3A_703 : vector<1024x128xf32>
    %select_n3A_719 = arith.select %lt3A_718, %add3A_717, %select_n3A_703 : vector<1024x128xi1>, vector<1024x128xf32>
    %broadcast_in_dim3A_720 = vector.shape_cast %get3A_712 : vector<1x128xf32> to vector<1x128xf32>
    %broadcast_in_dim3A_721 = vector.broadcast %broadcast_in_dim3A_720 : vector<1x128xf32> to vector<1024x128xf32>
    %select_n3A_722 = arith.select %lt3A_718, %broadcast_in_dim3A_721, %select_n3A_706 : vector<1024x128xi1>, vector<1024x128xf32>
    %get3A_723 = arith.constant 0 : index
    %get3A_724 = arith.constant 5504 : index
    %get3A_725 = vector.load %arg4[%get3A_723, %get3A_724] : memref<1x8192xf32, #tpu.memory_space<vmem>>, vector<1x128xf32>
    %get3A_726 = arith.constant 0 : index
    %get3A_727 = arith.constant 5504 : index
    %get3A_728 = vector.load %arg5[%get3A_726, %get3A_727] : memref<1x8192xf32, #tpu.memory_space<vmem>>, vector<1x128xf32>
    %add3A_729 = vector.broadcast %transpose3A : vector<1024x1xf32> to vector<1024x128xf32>
    %add3A_730 = vector.broadcast %get3A_725 : vector<1x128xf32> to vector<1024x128xf32>
    %add3A_731 = arith.addf %add3A_729, %add3A_730 : vector<1024x128xf32>
    %slice3A_732 = vector.extract_strided_slice %dot_general3A_674 {offsets = [0, 384], sizes = [1024, 128], strides = [1, 1]} : vector<1024x1024xf32> to vector<1024x128xf32>
    %add3A_733 = arith.addf %add3A_731, %slice3A_732 : vector<1024x128xf32>
    %lt3A_734 = arith.cmpf olt, %add3A_733, %select_n3A_719 : vector<1024x128xf32>
    %select_n3A_735 = arith.select %lt3A_734, %add3A_733, %select_n3A_719 : vector<1024x128xi1>, vector<1024x128xf32>
    %broadcast_in_dim3A_736 = vector.shape_cast %get3A_728 : vector<1x128xf32> to vector<1x128xf32>
    %broadcast_in_dim3A_737 = vector.broadcast %broadcast_in_dim3A_736 : vector<1x128xf32> to vector<1024x128xf32>
    %select_n3A_738 = arith.select %lt3A_734, %broadcast_in_dim3A_737, %select_n3A_722 : vector<1024x128xi1>, vector<1024x128xf32>
    %get3A_739 = arith.constant 0 : index
    %get3A_740 = arith.constant 5632 : index
    %get3A_741 = vector.load %arg4[%get3A_739, %get3A_740] : memref<1x8192xf32, #tpu.memory_space<vmem>>, vector<1x128xf32>
    %get3A_742 = arith.constant 0 : index
    %get3A_743 = arith.constant 5632 : index
    %get3A_744 = vector.load %arg5[%get3A_742, %get3A_743] : memref<1x8192xf32, #tpu.memory_space<vmem>>, vector<1x128xf32>
    %add3A_745 = vector.broadcast %transpose3A : vector<1024x1xf32> to vector<1024x128xf32>
    %add3A_746 = vector.broadcast %get3A_741 : vector<1x128xf32> to vector<1024x128xf32>
    %add3A_747 = arith.addf %add3A_745, %add3A_746 : vector<1024x128xf32>
    %slice3A_748 = vector.extract_strided_slice %dot_general3A_674 {offsets = [0, 512], sizes = [1024, 128], strides = [1, 1]} : vector<1024x1024xf32> to vector<1024x128xf32>
    %add3A_749 = arith.addf %add3A_747, %slice3A_748 : vector<1024x128xf32>
    %lt3A_750 = arith.cmpf olt, %add3A_749, %select_n3A_735 : vector<1024x128xf32>
    %select_n3A_751 = arith.select %lt3A_750, %add3A_749, %select_n3A_735 : vector<1024x128xi1>, vector<1024x128xf32>
    %broadcast_in_dim3A_752 = vector.shape_cast %get3A_744 : vector<1x128xf32> to vector<1x128xf32>
    %broadcast_in_dim3A_753 = vector.broadcast %broadcast_in_dim3A_752 : vector<1x128xf32> to vector<1024x128xf32>
    %select_n3A_754 = arith.select %lt3A_750, %broadcast_in_dim3A_753, %select_n3A_738 : vector<1024x128xi1>, vector<1024x128xf32>
    %get3A_755 = arith.constant 0 : index
    %get3A_756 = arith.constant 5760 : index
    %get3A_757 = vector.load %arg4[%get3A_755, %get3A_756] : memref<1x8192xf32, #tpu.memory_space<vmem>>, vector<1x128xf32>
    %get3A_758 = arith.constant 0 : index
    %get3A_759 = arith.constant 5760 : index
    %get3A_760 = vector.load %arg5[%get3A_758, %get3A_759] : memref<1x8192xf32, #tpu.memory_space<vmem>>, vector<1x128xf32>
    %add3A_761 = vector.broadcast %transpose3A : vector<1024x1xf32> to vector<1024x128xf32>
    %add3A_762 = vector.broadcast %get3A_757 : vector<1x128xf32> to vector<1024x128xf32>
    %add3A_763 = arith.addf %add3A_761, %add3A_762 : vector<1024x128xf32>
    %slice3A_764 = vector.extract_strided_slice %dot_general3A_674 {offsets = [0, 640], sizes = [1024, 128], strides = [1, 1]} : vector<1024x1024xf32> to vector<1024x128xf32>
    %add3A_765 = arith.addf %add3A_763, %slice3A_764 : vector<1024x128xf32>
    %lt3A_766 = arith.cmpf olt, %add3A_765, %select_n3A_751 : vector<1024x128xf32>
    %select_n3A_767 = arith.select %lt3A_766, %add3A_765, %select_n3A_751 : vector<1024x128xi1>, vector<1024x128xf32>
    %broadcast_in_dim3A_768 = vector.shape_cast %get3A_760 : vector<1x128xf32> to vector<1x128xf32>
    %broadcast_in_dim3A_769 = vector.broadcast %broadcast_in_dim3A_768 : vector<1x128xf32> to vector<1024x128xf32>
    %select_n3A_770 = arith.select %lt3A_766, %broadcast_in_dim3A_769, %select_n3A_754 : vector<1024x128xi1>, vector<1024x128xf32>
    %get3A_771 = arith.constant 0 : index
    %get3A_772 = arith.constant 5888 : index
    %get3A_773 = vector.load %arg4[%get3A_771, %get3A_772] : memref<1x8192xf32, #tpu.memory_space<vmem>>, vector<1x128xf32>
    %get3A_774 = arith.constant 0 : index
    %get3A_775 = arith.constant 5888 : index
    %get3A_776 = vector.load %arg5[%get3A_774, %get3A_775] : memref<1x8192xf32, #tpu.memory_space<vmem>>, vector<1x128xf32>
    %add3A_777 = vector.broadcast %transpose3A : vector<1024x1xf32> to vector<1024x128xf32>
    %add3A_778 = vector.broadcast %get3A_773 : vector<1x128xf32> to vector<1024x128xf32>
    %add3A_779 = arith.addf %add3A_777, %add3A_778 : vector<1024x128xf32>
    %slice3A_780 = vector.extract_strided_slice %dot_general3A_674 {offsets = [0, 768], sizes = [1024, 128], strides = [1, 1]} : vector<1024x1024xf32> to vector<1024x128xf32>
    %add3A_781 = arith.addf %add3A_779, %slice3A_780 : vector<1024x128xf32>
    %lt3A_782 = arith.cmpf olt, %add3A_781, %select_n3A_767 : vector<1024x128xf32>
    %select_n3A_783 = arith.select %lt3A_782, %add3A_781, %select_n3A_767 : vector<1024x128xi1>, vector<1024x128xf32>
    %broadcast_in_dim3A_784 = vector.shape_cast %get3A_776 : vector<1x128xf32> to vector<1x128xf32>
    %broadcast_in_dim3A_785 = vector.broadcast %broadcast_in_dim3A_784 : vector<1x128xf32> to vector<1024x128xf32>
    %select_n3A_786 = arith.select %lt3A_782, %broadcast_in_dim3A_785, %select_n3A_770 : vector<1024x128xi1>, vector<1024x128xf32>
    %get3A_787 = arith.constant 0 : index
    %get3A_788 = arith.constant 6016 : index
    %get3A_789 = vector.load %arg4[%get3A_787, %get3A_788] : memref<1x8192xf32, #tpu.memory_space<vmem>>, vector<1x128xf32>
    %get3A_790 = arith.constant 0 : index
    %get3A_791 = arith.constant 6016 : index
    %get3A_792 = vector.load %arg5[%get3A_790, %get3A_791] : memref<1x8192xf32, #tpu.memory_space<vmem>>, vector<1x128xf32>
    %add3A_793 = vector.broadcast %transpose3A : vector<1024x1xf32> to vector<1024x128xf32>
    %add3A_794 = vector.broadcast %get3A_789 : vector<1x128xf32> to vector<1024x128xf32>
    %add3A_795 = arith.addf %add3A_793, %add3A_794 : vector<1024x128xf32>
    %slice3A_796 = vector.extract_strided_slice %dot_general3A_674 {offsets = [0, 896], sizes = [1024, 128], strides = [1, 1]} : vector<1024x1024xf32> to vector<1024x128xf32>
    %add3A_797 = arith.addf %add3A_795, %slice3A_796 : vector<1024x128xf32>
    %lt3A_798 = arith.cmpf olt, %add3A_797, %select_n3A_783 : vector<1024x128xf32>
    %select_n3A_799 = arith.select %lt3A_798, %add3A_797, %select_n3A_783 : vector<1024x128xi1>, vector<1024x128xf32>
    %broadcast_in_dim3A_800 = vector.shape_cast %get3A_792 : vector<1x128xf32> to vector<1x128xf32>
    %broadcast_in_dim3A_801 = vector.broadcast %broadcast_in_dim3A_800 : vector<1x128xf32> to vector<1024x128xf32>
    %select_n3A_802 = arith.select %lt3A_798, %broadcast_in_dim3A_801, %select_n3A_786 : vector<1024x128xi1>, vector<1024x128xf32>
    %get3A_803 = arith.constant 6144 : index
    %get3A_804 = arith.constant 0 : index
    %get3A_805 = vector.load %arg2[%get3A_803, %get3A_804] : memref<8192x32xf32, #tpu.memory_space<vmem>>, vector<1024x32xf32>
    %dot_general3A_806 = arith.constant dense<0.000000e+00> : vector<1024x1024xf32>
    %dot_general3A_807 = tpu.matmul %mul3A_3, %get3A_805, %dot_general3A_806 {dimension_numbers = #tpu.dot_dimension_numbers<[0], [1], [1], [0], [0, 1, 1, 0], [], []>, transpose_lhs_hint = false} : vector<32x1024xf32>, vector<1024x32xf32>, vector<1024x1024xf32> -> vector<1024x1024xf32>
    %get3A_808 = arith.constant 0 : index
    %get3A_809 = arith.constant 6144 : index
    %get3A_810 = vector.load %arg4[%get3A_808, %get3A_809] : memref<1x8192xf32, #tpu.memory_space<vmem>>, vector<1x128xf32>
    %get3A_811 = arith.constant 0 : index
    %get3A_812 = arith.constant 6144 : index
    %get3A_813 = vector.load %arg5[%get3A_811, %get3A_812] : memref<1x8192xf32, #tpu.memory_space<vmem>>, vector<1x128xf32>
    %add3A_814 = vector.broadcast %transpose3A : vector<1024x1xf32> to vector<1024x128xf32>
    %add3A_815 = vector.broadcast %get3A_810 : vector<1x128xf32> to vector<1024x128xf32>
    %add3A_816 = arith.addf %add3A_814, %add3A_815 : vector<1024x128xf32>
    %slice3A_817 = vector.extract_strided_slice %dot_general3A_807 {offsets = [0, 0], sizes = [1024, 128], strides = [1, 1]} : vector<1024x1024xf32> to vector<1024x128xf32>
    %add3A_818 = arith.addf %add3A_816, %slice3A_817 : vector<1024x128xf32>
    %lt3A_819 = arith.cmpf olt, %add3A_818, %select_n3A_799 : vector<1024x128xf32>
    %select_n3A_820 = arith.select %lt3A_819, %add3A_818, %select_n3A_799 : vector<1024x128xi1>, vector<1024x128xf32>
    %broadcast_in_dim3A_821 = vector.shape_cast %get3A_813 : vector<1x128xf32> to vector<1x128xf32>
    %broadcast_in_dim3A_822 = vector.broadcast %broadcast_in_dim3A_821 : vector<1x128xf32> to vector<1024x128xf32>
    %select_n3A_823 = arith.select %lt3A_819, %broadcast_in_dim3A_822, %select_n3A_802 : vector<1024x128xi1>, vector<1024x128xf32>
    %get3A_824 = arith.constant 0 : index
    %get3A_825 = arith.constant 6272 : index
    %get3A_826 = vector.load %arg4[%get3A_824, %get3A_825] : memref<1x8192xf32, #tpu.memory_space<vmem>>, vector<1x128xf32>
    %get3A_827 = arith.constant 0 : index
    %get3A_828 = arith.constant 6272 : index
    %get3A_829 = vector.load %arg5[%get3A_827, %get3A_828] : memref<1x8192xf32, #tpu.memory_space<vmem>>, vector<1x128xf32>
    %add3A_830 = vector.broadcast %transpose3A : vector<1024x1xf32> to vector<1024x128xf32>
    %add3A_831 = vector.broadcast %get3A_826 : vector<1x128xf32> to vector<1024x128xf32>
    %add3A_832 = arith.addf %add3A_830, %add3A_831 : vector<1024x128xf32>
    %slice3A_833 = vector.extract_strided_slice %dot_general3A_807 {offsets = [0, 128], sizes = [1024, 128], strides = [1, 1]} : vector<1024x1024xf32> to vector<1024x128xf32>
    %add3A_834 = arith.addf %add3A_832, %slice3A_833 : vector<1024x128xf32>
    %lt3A_835 = arith.cmpf olt, %add3A_834, %select_n3A_820 : vector<1024x128xf32>
    %select_n3A_836 = arith.select %lt3A_835, %add3A_834, %select_n3A_820 : vector<1024x128xi1>, vector<1024x128xf32>
    %broadcast_in_dim3A_837 = vector.shape_cast %get3A_829 : vector<1x128xf32> to vector<1x128xf32>
    %broadcast_in_dim3A_838 = vector.broadcast %broadcast_in_dim3A_837 : vector<1x128xf32> to vector<1024x128xf32>
    %select_n3A_839 = arith.select %lt3A_835, %broadcast_in_dim3A_838, %select_n3A_823 : vector<1024x128xi1>, vector<1024x128xf32>
    %get3A_840 = arith.constant 0 : index
    %get3A_841 = arith.constant 6400 : index
    %get3A_842 = vector.load %arg4[%get3A_840, %get3A_841] : memref<1x8192xf32, #tpu.memory_space<vmem>>, vector<1x128xf32>
    %get3A_843 = arith.constant 0 : index
    %get3A_844 = arith.constant 6400 : index
    %get3A_845 = vector.load %arg5[%get3A_843, %get3A_844] : memref<1x8192xf32, #tpu.memory_space<vmem>>, vector<1x128xf32>
    %add3A_846 = vector.broadcast %transpose3A : vector<1024x1xf32> to vector<1024x128xf32>
    %add3A_847 = vector.broadcast %get3A_842 : vector<1x128xf32> to vector<1024x128xf32>
    %add3A_848 = arith.addf %add3A_846, %add3A_847 : vector<1024x128xf32>
    %slice3A_849 = vector.extract_strided_slice %dot_general3A_807 {offsets = [0, 256], sizes = [1024, 128], strides = [1, 1]} : vector<1024x1024xf32> to vector<1024x128xf32>
    %add3A_850 = arith.addf %add3A_848, %slice3A_849 : vector<1024x128xf32>
    %lt3A_851 = arith.cmpf olt, %add3A_850, %select_n3A_836 : vector<1024x128xf32>
    %select_n3A_852 = arith.select %lt3A_851, %add3A_850, %select_n3A_836 : vector<1024x128xi1>, vector<1024x128xf32>
    %broadcast_in_dim3A_853 = vector.shape_cast %get3A_845 : vector<1x128xf32> to vector<1x128xf32>
    %broadcast_in_dim3A_854 = vector.broadcast %broadcast_in_dim3A_853 : vector<1x128xf32> to vector<1024x128xf32>
    %select_n3A_855 = arith.select %lt3A_851, %broadcast_in_dim3A_854, %select_n3A_839 : vector<1024x128xi1>, vector<1024x128xf32>
    %get3A_856 = arith.constant 0 : index
    %get3A_857 = arith.constant 6528 : index
    %get3A_858 = vector.load %arg4[%get3A_856, %get3A_857] : memref<1x8192xf32, #tpu.memory_space<vmem>>, vector<1x128xf32>
    %get3A_859 = arith.constant 0 : index
    %get3A_860 = arith.constant 6528 : index
    %get3A_861 = vector.load %arg5[%get3A_859, %get3A_860] : memref<1x8192xf32, #tpu.memory_space<vmem>>, vector<1x128xf32>
    %add3A_862 = vector.broadcast %transpose3A : vector<1024x1xf32> to vector<1024x128xf32>
    %add3A_863 = vector.broadcast %get3A_858 : vector<1x128xf32> to vector<1024x128xf32>
    %add3A_864 = arith.addf %add3A_862, %add3A_863 : vector<1024x128xf32>
    %slice3A_865 = vector.extract_strided_slice %dot_general3A_807 {offsets = [0, 384], sizes = [1024, 128], strides = [1, 1]} : vector<1024x1024xf32> to vector<1024x128xf32>
    %add3A_866 = arith.addf %add3A_864, %slice3A_865 : vector<1024x128xf32>
    %lt3A_867 = arith.cmpf olt, %add3A_866, %select_n3A_852 : vector<1024x128xf32>
    %select_n3A_868 = arith.select %lt3A_867, %add3A_866, %select_n3A_852 : vector<1024x128xi1>, vector<1024x128xf32>
    %broadcast_in_dim3A_869 = vector.shape_cast %get3A_861 : vector<1x128xf32> to vector<1x128xf32>
    %broadcast_in_dim3A_870 = vector.broadcast %broadcast_in_dim3A_869 : vector<1x128xf32> to vector<1024x128xf32>
    %select_n3A_871 = arith.select %lt3A_867, %broadcast_in_dim3A_870, %select_n3A_855 : vector<1024x128xi1>, vector<1024x128xf32>
    %get3A_872 = arith.constant 0 : index
    %get3A_873 = arith.constant 6656 : index
    %get3A_874 = vector.load %arg4[%get3A_872, %get3A_873] : memref<1x8192xf32, #tpu.memory_space<vmem>>, vector<1x128xf32>
    %get3A_875 = arith.constant 0 : index
    %get3A_876 = arith.constant 6656 : index
    %get3A_877 = vector.load %arg5[%get3A_875, %get3A_876] : memref<1x8192xf32, #tpu.memory_space<vmem>>, vector<1x128xf32>
    %add3A_878 = vector.broadcast %transpose3A : vector<1024x1xf32> to vector<1024x128xf32>
    %add3A_879 = vector.broadcast %get3A_874 : vector<1x128xf32> to vector<1024x128xf32>
    %add3A_880 = arith.addf %add3A_878, %add3A_879 : vector<1024x128xf32>
    %slice3A_881 = vector.extract_strided_slice %dot_general3A_807 {offsets = [0, 512], sizes = [1024, 128], strides = [1, 1]} : vector<1024x1024xf32> to vector<1024x128xf32>
    %add3A_882 = arith.addf %add3A_880, %slice3A_881 : vector<1024x128xf32>
    %lt3A_883 = arith.cmpf olt, %add3A_882, %select_n3A_868 : vector<1024x128xf32>
    %select_n3A_884 = arith.select %lt3A_883, %add3A_882, %select_n3A_868 : vector<1024x128xi1>, vector<1024x128xf32>
    %broadcast_in_dim3A_885 = vector.shape_cast %get3A_877 : vector<1x128xf32> to vector<1x128xf32>
    %broadcast_in_dim3A_886 = vector.broadcast %broadcast_in_dim3A_885 : vector<1x128xf32> to vector<1024x128xf32>
    %select_n3A_887 = arith.select %lt3A_883, %broadcast_in_dim3A_886, %select_n3A_871 : vector<1024x128xi1>, vector<1024x128xf32>
    %get3A_888 = arith.constant 0 : index
    %get3A_889 = arith.constant 6784 : index
    %get3A_890 = vector.load %arg4[%get3A_888, %get3A_889] : memref<1x8192xf32, #tpu.memory_space<vmem>>, vector<1x128xf32>
    %get3A_891 = arith.constant 0 : index
    %get3A_892 = arith.constant 6784 : index
    %get3A_893 = vector.load %arg5[%get3A_891, %get3A_892] : memref<1x8192xf32, #tpu.memory_space<vmem>>, vector<1x128xf32>
    %add3A_894 = vector.broadcast %transpose3A : vector<1024x1xf32> to vector<1024x128xf32>
    %add3A_895 = vector.broadcast %get3A_890 : vector<1x128xf32> to vector<1024x128xf32>
    %add3A_896 = arith.addf %add3A_894, %add3A_895 : vector<1024x128xf32>
    %slice3A_897 = vector.extract_strided_slice %dot_general3A_807 {offsets = [0, 640], sizes = [1024, 128], strides = [1, 1]} : vector<1024x1024xf32> to vector<1024x128xf32>
    %add3A_898 = arith.addf %add3A_896, %slice3A_897 : vector<1024x128xf32>
    %lt3A_899 = arith.cmpf olt, %add3A_898, %select_n3A_884 : vector<1024x128xf32>
    %select_n3A_900 = arith.select %lt3A_899, %add3A_898, %select_n3A_884 : vector<1024x128xi1>, vector<1024x128xf32>
    %broadcast_in_dim3A_901 = vector.shape_cast %get3A_893 : vector<1x128xf32> to vector<1x128xf32>
    %broadcast_in_dim3A_902 = vector.broadcast %broadcast_in_dim3A_901 : vector<1x128xf32> to vector<1024x128xf32>
    %select_n3A_903 = arith.select %lt3A_899, %broadcast_in_dim3A_902, %select_n3A_887 : vector<1024x128xi1>, vector<1024x128xf32>
    %get3A_904 = arith.constant 0 : index
    %get3A_905 = arith.constant 6912 : index
    %get3A_906 = vector.load %arg4[%get3A_904, %get3A_905] : memref<1x8192xf32, #tpu.memory_space<vmem>>, vector<1x128xf32>
    %get3A_907 = arith.constant 0 : index
    %get3A_908 = arith.constant 6912 : index
    %get3A_909 = vector.load %arg5[%get3A_907, %get3A_908] : memref<1x8192xf32, #tpu.memory_space<vmem>>, vector<1x128xf32>
    %add3A_910 = vector.broadcast %transpose3A : vector<1024x1xf32> to vector<1024x128xf32>
    %add3A_911 = vector.broadcast %get3A_906 : vector<1x128xf32> to vector<1024x128xf32>
    %add3A_912 = arith.addf %add3A_910, %add3A_911 : vector<1024x128xf32>
    %slice3A_913 = vector.extract_strided_slice %dot_general3A_807 {offsets = [0, 768], sizes = [1024, 128], strides = [1, 1]} : vector<1024x1024xf32> to vector<1024x128xf32>
    %add3A_914 = arith.addf %add3A_912, %slice3A_913 : vector<1024x128xf32>
    %lt3A_915 = arith.cmpf olt, %add3A_914, %select_n3A_900 : vector<1024x128xf32>
    %select_n3A_916 = arith.select %lt3A_915, %add3A_914, %select_n3A_900 : vector<1024x128xi1>, vector<1024x128xf32>
    %broadcast_in_dim3A_917 = vector.shape_cast %get3A_909 : vector<1x128xf32> to vector<1x128xf32>
    %broadcast_in_dim3A_918 = vector.broadcast %broadcast_in_dim3A_917 : vector<1x128xf32> to vector<1024x128xf32>
    %select_n3A_919 = arith.select %lt3A_915, %broadcast_in_dim3A_918, %select_n3A_903 : vector<1024x128xi1>, vector<1024x128xf32>
    %get3A_920 = arith.constant 0 : index
    %get3A_921 = arith.constant 7040 : index
    %get3A_922 = vector.load %arg4[%get3A_920, %get3A_921] : memref<1x8192xf32, #tpu.memory_space<vmem>>, vector<1x128xf32>
    %get3A_923 = arith.constant 0 : index
    %get3A_924 = arith.constant 7040 : index
    %get3A_925 = vector.load %arg5[%get3A_923, %get3A_924] : memref<1x8192xf32, #tpu.memory_space<vmem>>, vector<1x128xf32>
    %add3A_926 = vector.broadcast %transpose3A : vector<1024x1xf32> to vector<1024x128xf32>
    %add3A_927 = vector.broadcast %get3A_922 : vector<1x128xf32> to vector<1024x128xf32>
    %add3A_928 = arith.addf %add3A_926, %add3A_927 : vector<1024x128xf32>
    %slice3A_929 = vector.extract_strided_slice %dot_general3A_807 {offsets = [0, 896], sizes = [1024, 128], strides = [1, 1]} : vector<1024x1024xf32> to vector<1024x128xf32>
    %add3A_930 = arith.addf %add3A_928, %slice3A_929 : vector<1024x128xf32>
    %lt3A_931 = arith.cmpf olt, %add3A_930, %select_n3A_916 : vector<1024x128xf32>
    %select_n3A_932 = arith.select %lt3A_931, %add3A_930, %select_n3A_916 : vector<1024x128xi1>, vector<1024x128xf32>
    %broadcast_in_dim3A_933 = vector.shape_cast %get3A_925 : vector<1x128xf32> to vector<1x128xf32>
    %broadcast_in_dim3A_934 = vector.broadcast %broadcast_in_dim3A_933 : vector<1x128xf32> to vector<1024x128xf32>
    %select_n3A_935 = arith.select %lt3A_931, %broadcast_in_dim3A_934, %select_n3A_919 : vector<1024x128xi1>, vector<1024x128xf32>
    %get3A_936 = arith.constant 7168 : index
    %get3A_937 = arith.constant 0 : index
    %get3A_938 = vector.load %arg2[%get3A_936, %get3A_937] : memref<8192x32xf32, #tpu.memory_space<vmem>>, vector<1024x32xf32>
    %dot_general3A_939 = arith.constant dense<0.000000e+00> : vector<1024x1024xf32>
    %dot_general3A_940 = tpu.matmul %mul3A_3, %get3A_938, %dot_general3A_939 {dimension_numbers = #tpu.dot_dimension_numbers<[0], [1], [1], [0], [0, 1, 1, 0], [], []>, transpose_lhs_hint = false} : vector<32x1024xf32>, vector<1024x32xf32>, vector<1024x1024xf32> -> vector<1024x1024xf32>
    %get3A_941 = arith.constant 0 : index
    %get3A_942 = arith.constant 7168 : index
    %get3A_943 = vector.load %arg4[%get3A_941, %get3A_942] : memref<1x8192xf32, #tpu.memory_space<vmem>>, vector<1x128xf32>
    %get3A_944 = arith.constant 0 : index
    %get3A_945 = arith.constant 7168 : index
    %get3A_946 = vector.load %arg5[%get3A_944, %get3A_945] : memref<1x8192xf32, #tpu.memory_space<vmem>>, vector<1x128xf32>
    %add3A_947 = vector.broadcast %transpose3A : vector<1024x1xf32> to vector<1024x128xf32>
    %add3A_948 = vector.broadcast %get3A_943 : vector<1x128xf32> to vector<1024x128xf32>
    %add3A_949 = arith.addf %add3A_947, %add3A_948 : vector<1024x128xf32>
    %slice3A_950 = vector.extract_strided_slice %dot_general3A_940 {offsets = [0, 0], sizes = [1024, 128], strides = [1, 1]} : vector<1024x1024xf32> to vector<1024x128xf32>
    %add3A_951 = arith.addf %add3A_949, %slice3A_950 : vector<1024x128xf32>
    %lt3A_952 = arith.cmpf olt, %add3A_951, %select_n3A_932 : vector<1024x128xf32>
    %select_n3A_953 = arith.select %lt3A_952, %add3A_951, %select_n3A_932 : vector<1024x128xi1>, vector<1024x128xf32>
    %broadcast_in_dim3A_954 = vector.shape_cast %get3A_946 : vector<1x128xf32> to vector<1x128xf32>
    %broadcast_in_dim3A_955 = vector.broadcast %broadcast_in_dim3A_954 : vector<1x128xf32> to vector<1024x128xf32>
    %select_n3A_956 = arith.select %lt3A_952, %broadcast_in_dim3A_955, %select_n3A_935 : vector<1024x128xi1>, vector<1024x128xf32>
    %get3A_957 = arith.constant 0 : index
    %get3A_958 = arith.constant 7296 : index
    %get3A_959 = vector.load %arg4[%get3A_957, %get3A_958] : memref<1x8192xf32, #tpu.memory_space<vmem>>, vector<1x128xf32>
    %get3A_960 = arith.constant 0 : index
    %get3A_961 = arith.constant 7296 : index
    %get3A_962 = vector.load %arg5[%get3A_960, %get3A_961] : memref<1x8192xf32, #tpu.memory_space<vmem>>, vector<1x128xf32>
    %add3A_963 = vector.broadcast %transpose3A : vector<1024x1xf32> to vector<1024x128xf32>
    %add3A_964 = vector.broadcast %get3A_959 : vector<1x128xf32> to vector<1024x128xf32>
    %add3A_965 = arith.addf %add3A_963, %add3A_964 : vector<1024x128xf32>
    %slice3A_966 = vector.extract_strided_slice %dot_general3A_940 {offsets = [0, 128], sizes = [1024, 128], strides = [1, 1]} : vector<1024x1024xf32> to vector<1024x128xf32>
    %add3A_967 = arith.addf %add3A_965, %slice3A_966 : vector<1024x128xf32>
    %lt3A_968 = arith.cmpf olt, %add3A_967, %select_n3A_953 : vector<1024x128xf32>
    %select_n3A_969 = arith.select %lt3A_968, %add3A_967, %select_n3A_953 : vector<1024x128xi1>, vector<1024x128xf32>
    %broadcast_in_dim3A_970 = vector.shape_cast %get3A_962 : vector<1x128xf32> to vector<1x128xf32>
    %broadcast_in_dim3A_971 = vector.broadcast %broadcast_in_dim3A_970 : vector<1x128xf32> to vector<1024x128xf32>
    %select_n3A_972 = arith.select %lt3A_968, %broadcast_in_dim3A_971, %select_n3A_956 : vector<1024x128xi1>, vector<1024x128xf32>
    %get3A_973 = arith.constant 0 : index
    %get3A_974 = arith.constant 7424 : index
    %get3A_975 = vector.load %arg4[%get3A_973, %get3A_974] : memref<1x8192xf32, #tpu.memory_space<vmem>>, vector<1x128xf32>
    %get3A_976 = arith.constant 0 : index
    %get3A_977 = arith.constant 7424 : index
    %get3A_978 = vector.load %arg5[%get3A_976, %get3A_977] : memref<1x8192xf32, #tpu.memory_space<vmem>>, vector<1x128xf32>
    %add3A_979 = vector.broadcast %transpose3A : vector<1024x1xf32> to vector<1024x128xf32>
    %add3A_980 = vector.broadcast %get3A_975 : vector<1x128xf32> to vector<1024x128xf32>
    %add3A_981 = arith.addf %add3A_979, %add3A_980 : vector<1024x128xf32>
    %slice3A_982 = vector.extract_strided_slice %dot_general3A_940 {offsets = [0, 256], sizes = [1024, 128], strides = [1, 1]} : vector<1024x1024xf32> to vector<1024x128xf32>
    %add3A_983 = arith.addf %add3A_981, %slice3A_982 : vector<1024x128xf32>
    %lt3A_984 = arith.cmpf olt, %add3A_983, %select_n3A_969 : vector<1024x128xf32>
    %select_n3A_985 = arith.select %lt3A_984, %add3A_983, %select_n3A_969 : vector<1024x128xi1>, vector<1024x128xf32>
    %broadcast_in_dim3A_986 = vector.shape_cast %get3A_978 : vector<1x128xf32> to vector<1x128xf32>
    %broadcast_in_dim3A_987 = vector.broadcast %broadcast_in_dim3A_986 : vector<1x128xf32> to vector<1024x128xf32>
    %select_n3A_988 = arith.select %lt3A_984, %broadcast_in_dim3A_987, %select_n3A_972 : vector<1024x128xi1>, vector<1024x128xf32>
    %get3A_989 = arith.constant 0 : index
    %get3A_990 = arith.constant 7552 : index
    %get3A_991 = vector.load %arg4[%get3A_989, %get3A_990] : memref<1x8192xf32, #tpu.memory_space<vmem>>, vector<1x128xf32>
    %get3A_992 = arith.constant 0 : index
    %get3A_993 = arith.constant 7552 : index
    %get3A_994 = vector.load %arg5[%get3A_992, %get3A_993] : memref<1x8192xf32, #tpu.memory_space<vmem>>, vector<1x128xf32>
    %add3A_995 = vector.broadcast %transpose3A : vector<1024x1xf32> to vector<1024x128xf32>
    %add3A_996 = vector.broadcast %get3A_991 : vector<1x128xf32> to vector<1024x128xf32>
    %add3A_997 = arith.addf %add3A_995, %add3A_996 : vector<1024x128xf32>
    %slice3A_998 = vector.extract_strided_slice %dot_general3A_940 {offsets = [0, 384], sizes = [1024, 128], strides = [1, 1]} : vector<1024x1024xf32> to vector<1024x128xf32>
    %add3A_999 = arith.addf %add3A_997, %slice3A_998 : vector<1024x128xf32>
    %lt3A_1000 = arith.cmpf olt, %add3A_999, %select_n3A_985 : vector<1024x128xf32>
    %select_n3A_1001 = arith.select %lt3A_1000, %add3A_999, %select_n3A_985 : vector<1024x128xi1>, vector<1024x128xf32>
    %broadcast_in_dim3A_1002 = vector.shape_cast %get3A_994 : vector<1x128xf32> to vector<1x128xf32>
    %broadcast_in_dim3A_1003 = vector.broadcast %broadcast_in_dim3A_1002 : vector<1x128xf32> to vector<1024x128xf32>
    %select_n3A_1004 = arith.select %lt3A_1000, %broadcast_in_dim3A_1003, %select_n3A_988 : vector<1024x128xi1>, vector<1024x128xf32>
    %get3A_1005 = arith.constant 0 : index
    %get3A_1006 = arith.constant 7680 : index
    %get3A_1007 = vector.load %arg4[%get3A_1005, %get3A_1006] : memref<1x8192xf32, #tpu.memory_space<vmem>>, vector<1x128xf32>
    %get3A_1008 = arith.constant 0 : index
    %get3A_1009 = arith.constant 7680 : index
    %get3A_1010 = vector.load %arg5[%get3A_1008, %get3A_1009] : memref<1x8192xf32, #tpu.memory_space<vmem>>, vector<1x128xf32>
    %add3A_1011 = vector.broadcast %transpose3A : vector<1024x1xf32> to vector<1024x128xf32>
    %add3A_1012 = vector.broadcast %get3A_1007 : vector<1x128xf32> to vector<1024x128xf32>
    %add3A_1013 = arith.addf %add3A_1011, %add3A_1012 : vector<1024x128xf32>
    %slice3A_1014 = vector.extract_strided_slice %dot_general3A_940 {offsets = [0, 512], sizes = [1024, 128], strides = [1, 1]} : vector<1024x1024xf32> to vector<1024x128xf32>
    %add3A_1015 = arith.addf %add3A_1013, %slice3A_1014 : vector<1024x128xf32>
    %lt3A_1016 = arith.cmpf olt, %add3A_1015, %select_n3A_1001 : vector<1024x128xf32>
    %select_n3A_1017 = arith.select %lt3A_1016, %add3A_1015, %select_n3A_1001 : vector<1024x128xi1>, vector<1024x128xf32>
    %broadcast_in_dim3A_1018 = vector.shape_cast %get3A_1010 : vector<1x128xf32> to vector<1x128xf32>
    %broadcast_in_dim3A_1019 = vector.broadcast %broadcast_in_dim3A_1018 : vector<1x128xf32> to vector<1024x128xf32>
    %select_n3A_1020 = arith.select %lt3A_1016, %broadcast_in_dim3A_1019, %select_n3A_1004 : vector<1024x128xi1>, vector<1024x128xf32>
    %get3A_1021 = arith.constant 0 : index
    %get3A_1022 = arith.constant 7808 : index
    %get3A_1023 = vector.load %arg4[%get3A_1021, %get3A_1022] : memref<1x8192xf32, #tpu.memory_space<vmem>>, vector<1x128xf32>
    %get3A_1024 = arith.constant 0 : index
    %get3A_1025 = arith.constant 7808 : index
    %get3A_1026 = vector.load %arg5[%get3A_1024, %get3A_1025] : memref<1x8192xf32, #tpu.memory_space<vmem>>, vector<1x128xf32>
    %add3A_1027 = vector.broadcast %transpose3A : vector<1024x1xf32> to vector<1024x128xf32>
    %add3A_1028 = vector.broadcast %get3A_1023 : vector<1x128xf32> to vector<1024x128xf32>
    %add3A_1029 = arith.addf %add3A_1027, %add3A_1028 : vector<1024x128xf32>
    %slice3A_1030 = vector.extract_strided_slice %dot_general3A_940 {offsets = [0, 640], sizes = [1024, 128], strides = [1, 1]} : vector<1024x1024xf32> to vector<1024x128xf32>
    %add3A_1031 = arith.addf %add3A_1029, %slice3A_1030 : vector<1024x128xf32>
    %lt3A_1032 = arith.cmpf olt, %add3A_1031, %select_n3A_1017 : vector<1024x128xf32>
    %select_n3A_1033 = arith.select %lt3A_1032, %add3A_1031, %select_n3A_1017 : vector<1024x128xi1>, vector<1024x128xf32>
    %broadcast_in_dim3A_1034 = vector.shape_cast %get3A_1026 : vector<1x128xf32> to vector<1x128xf32>
    %broadcast_in_dim3A_1035 = vector.broadcast %broadcast_in_dim3A_1034 : vector<1x128xf32> to vector<1024x128xf32>
    %select_n3A_1036 = arith.select %lt3A_1032, %broadcast_in_dim3A_1035, %select_n3A_1020 : vector<1024x128xi1>, vector<1024x128xf32>
    %get3A_1037 = arith.constant 0 : index
    %get3A_1038 = arith.constant 7936 : index
    %get3A_1039 = vector.load %arg4[%get3A_1037, %get3A_1038] : memref<1x8192xf32, #tpu.memory_space<vmem>>, vector<1x128xf32>
    %get3A_1040 = arith.constant 0 : index
    %get3A_1041 = arith.constant 7936 : index
    %get3A_1042 = vector.load %arg5[%get3A_1040, %get3A_1041] : memref<1x8192xf32, #tpu.memory_space<vmem>>, vector<1x128xf32>
    %add3A_1043 = vector.broadcast %transpose3A : vector<1024x1xf32> to vector<1024x128xf32>
    %add3A_1044 = vector.broadcast %get3A_1039 : vector<1x128xf32> to vector<1024x128xf32>
    %add3A_1045 = arith.addf %add3A_1043, %add3A_1044 : vector<1024x128xf32>
    %slice3A_1046 = vector.extract_strided_slice %dot_general3A_940 {offsets = [0, 768], sizes = [1024, 128], strides = [1, 1]} : vector<1024x1024xf32> to vector<1024x128xf32>
    %add3A_1047 = arith.addf %add3A_1045, %slice3A_1046 : vector<1024x128xf32>
    %lt3A_1048 = arith.cmpf olt, %add3A_1047, %select_n3A_1033 : vector<1024x128xf32>
    %select_n3A_1049 = arith.select %lt3A_1048, %add3A_1047, %select_n3A_1033 : vector<1024x128xi1>, vector<1024x128xf32>
    %broadcast_in_dim3A_1050 = vector.shape_cast %get3A_1042 : vector<1x128xf32> to vector<1x128xf32>
    %broadcast_in_dim3A_1051 = vector.broadcast %broadcast_in_dim3A_1050 : vector<1x128xf32> to vector<1024x128xf32>
    %select_n3A_1052 = arith.select %lt3A_1048, %broadcast_in_dim3A_1051, %select_n3A_1036 : vector<1024x128xi1>, vector<1024x128xf32>
    %get3A_1053 = arith.constant 0 : index
    %get3A_1054 = arith.constant 8064 : index
    %get3A_1055 = vector.load %arg4[%get3A_1053, %get3A_1054] : memref<1x8192xf32, #tpu.memory_space<vmem>>, vector<1x128xf32>
    %get3A_1056 = arith.constant 0 : index
    %get3A_1057 = arith.constant 8064 : index
    %get3A_1058 = vector.load %arg5[%get3A_1056, %get3A_1057] : memref<1x8192xf32, #tpu.memory_space<vmem>>, vector<1x128xf32>
    %add3A_1059 = vector.broadcast %transpose3A : vector<1024x1xf32> to vector<1024x128xf32>
    %add3A_1060 = vector.broadcast %get3A_1055 : vector<1x128xf32> to vector<1024x128xf32>
    %add3A_1061 = arith.addf %add3A_1059, %add3A_1060 : vector<1024x128xf32>
    %slice3A_1062 = vector.extract_strided_slice %dot_general3A_940 {offsets = [0, 896], sizes = [1024, 128], strides = [1, 1]} : vector<1024x1024xf32> to vector<1024x128xf32>
    %add3A_1063 = arith.addf %add3A_1061, %slice3A_1062 : vector<1024x128xf32>
    %lt3A_1064 = arith.cmpf olt, %add3A_1063, %select_n3A_1049 : vector<1024x128xf32>
    %select_n3A_1065 = arith.select %lt3A_1064, %add3A_1063, %select_n3A_1049 : vector<1024x128xi1>, vector<1024x128xf32>
    %broadcast_in_dim3A_1066 = vector.shape_cast %get3A_1058 : vector<1x128xf32> to vector<1x128xf32>
    %broadcast_in_dim3A_1067 = vector.broadcast %broadcast_in_dim3A_1066 : vector<1x128xf32> to vector<1024x128xf32>
    %select_n3A_1068 = arith.select %lt3A_1064, %broadcast_in_dim3A_1067, %select_n3A_1052 : vector<1024x128xi1>, vector<1024x128xf32>
    %reduce_min3A = arith.constant dense<0x7F800000> : vector<1024xf32>
    %reduce_min3A_1069 = vector.multi_reduction <minimumf>, %select_n3A_1065, %reduce_min3A [1] : vector<1024x128xf32> to vector<1024xf32>
    %broadcast_in_dim3A_1070 = vector.shape_cast %reduce_min3A_1069 : vector<1024xf32> to vector<1024x1xf32>
    %eq3A = vector.broadcast %broadcast_in_dim3A_1070 : vector<1024x1xf32> to vector<1024x128xf32>
    %eq3A_1071 = arith.cmpf oeq, %select_n3A_1065, %eq3A : vector<1024x128xf32>
    %jit3A = arith.constant 8.192000e+03 : f32
    %broadcast_in_dim3A_1072 = vector.broadcast %jit3A : f32 to vector<1024x128xf32>
    %select_n3A_1073 = arith.select %eq3A_1071, %select_n3A_1068, %broadcast_in_dim3A_1072 : vector<1024x128xi1>, vector<1024x128xf32>
    %reduce_min3A_1074 = arith.constant dense<0x7F800000> : vector<1024xf32>
    %reduce_min3A_1075 = vector.multi_reduction <minimumf>, %select_n3A_1073, %reduce_min3A_1074 [1] : vector<1024x128xf32> to vector<1024xf32>
    %broadcast_in_dim3A_1076 = vector.shape_cast %reduce_min3A_1075 : vector<1024xf32> to vector<1024x1xf32>
    %concatenate3A = tpu.concatenate %broadcast_in_dim3A_1070, %broadcast_in_dim3A_1076 in 1 : vector<1024x1xf32>, vector<1024x1xf32> -> vector<1024x2xf32>
    %transpose3A_1077 = tpu.transpose %concatenate3A, [1, 0] : vector<1024x2xf32> -> vector<2x1024xf32>
    %swap3A = arith.constant 0 : index
    %swap3A_1078 = arith.constant 0 : index
    %swap3A_1079 = vector.load %arg6[%swap3A, %swap3A_1078] : memref<2x1024xf32, #tpu.memory_space<vmem>>, vector<2x1024xf32>
    tpu.vector_store %arg6[%swap3A, %swap3A_1078], %transpose3A_1077 {strides = array<i32>} : memref<2x1024xf32, #tpu.memory_space<vmem>>, vector<2x1024xf32>,
    return
  }
  func.func @transform_0(%arg0: i32) -> (i32, i32) {
    %c0_i32 = arith.constant 0 : i32
    %c0_i32_0 = arith.constant 0 : i32
    return %c0_i32, %arg0 : i32, i32
  }
  func.func @transform_1(%arg0: i32) -> (i32, i32) {
    %c0_i32 = arith.constant 0 : i32
    %c0_i32_0 = arith.constant 0 : i32
    %c0_i32_1 = arith.constant 0 : i32
    return %c0_i32, %c0_i32_0 : i32, i32
  }
  func.func @transform_2(%arg0: i32) -> (i32, i32) {
    %c0_i32 = arith.constant 0 : i32
    %c0_i32_0 = arith.constant 0 : i32
    return %c0_i32, %arg0 : i32, i32
  }
  func.func @transform_3(%arg0: i32) -> (i32, i32) {
    %c0_i32 = arith.constant 0 : i32
    %c0_i32_0 = arith.constant 0 : i32
    %c0_i32_1 = arith.constant 0 : i32
    return %c0_i32, %c0_i32_0 : i32, i32
  }
  func.func @transform_4(%arg0: i32) -> (i32, i32) {
    %c0_i32 = arith.constant 0 : i32
    %c0_i32_0 = arith.constant 0 : i32
    %c0_i32_1 = arith.constant 0 : i32
    return %c0_i32, %c0_i32_0 : i32, i32
  }
  func.func @transform_5(%arg0: i32) -> (i32, i32) {
    %c0_i32 = arith.constant 0 : i32
    %c0_i32_0 = arith.constant 0 : i32
    return %c0_i32, %arg0 : i32, i32
  }
}

</mosaic_0001>

<sc_bundles>
// kernel: kernel.4.cloned.1.call-start
scs
__scs_entry_jumppad:
0x0: {  	(pc) =	sbr.rel $0x88, $3  }
0x1: {  	(tag) =	ssettag $0x0;
	lr =	simm.s32 $0x1  }
0x2: {  	[smem:$0x3F9E] =	sst lr;
	_ =	strace $0xD0000000  }
0x3: {  	_ = 	snop  }
0x4: {  	_ = 	snop  }
0x5: {  	_ = 	snop  }
0x6: {  	_ = 	snop  }
0x7: {  	_ = 	snop  }
__scs_overlays_trampoline_lowered:
0x8: {  	[smem:$0x3FAD] =	sst s0  }
0x9: {  	[smem:$0x3FAE] =	sst s1  }
0xa: {  	[smem:$0x3FAF] =	sst s2  }
0xb: {  	[smem:$0x3FB0] =	sst s3  }
0xc: {  	[smem:$0x3FB1] =	sst s4  }
0xd: {  	[smem:$0x3FB2] =	sst s5  }
0xe: {  	[smem:$0x3FB3] =	sst s6  }
0xf: {  	[smem:$0x3FB4] =	sst s7  }
0x10: {  	[smem:$0x3FB5] =	sst s8  }
0x11: {  	[smem:$0x3FB6] =	sst s9;
	s0 =	simm.s32 @!p0 $0x0  }
0x12: {  	s1 =	sld [smem:$0x3F9C];
	s0 =	simm.s32 @p0 $0x1  }
0x13: {  	[smem:$0x3FB7] =	sst s0;
	s0 =	simm.s32 @!p1 $0x0  }
0x14: {  	s2 =	sld [smem:$0x3F9B];
	s0 =	simm.s32 @p1 $0x1  }
0x15: {  	[smem:$0x3FB8] =	sst s0;
	s0 =	simm.s32 @!p2 $0x0  }
0x16: {  	s3 =	sld [smem:$0x3FDB];
	s0 =	simm.s32 @p2 $0x1  }
0x17: {  	s4 =	simm.s32 $0x1BF5;
	[smem:$0x3FBA] =	sst s0  }
0x18: {  	s0 =	sld [smem:$0x3F9D];
	_ =	swait.ge [sflag:s4], $0x0  }
0x19: {  	s7 =	sld [smem:$0x3F9E]  }
0x1a: {  	s8 =	sadd.s32 $0xFFFFE003, lr  }
0x1b: {  	s9 =	sadd.s32 $0xFFFFFEF7, lr;
	s5 =	simm.s32 $0xFFFFFFFF;
	p2 =	slt.u32 s8, $0xFFFFF086  }
0x1c: {  	p1 =	slt.u32 s9, $0xF7A;
	s5 =	simm.s32 @!p2 $0x0  }
0x1d: {  	s5 =	simm.s32 @p1 $0x1;
	p0 =	seq.s32 s7, s2  }
0x1e: {  	s7 =	smul.u32 @!p0 $0xF7A, s2;
	p2 =	seq.s32 @!p0 s5, $0x0  }
0x1f: {  	s9 =	smul.u32 $0xF7A, s1;
	s8 =	simm.s32 @!p0 $0x1BF5;
	p2 =	por !p2, p0  }
0x20: {  	[sflag:s8] =	ssyncset.s32 @!p0 $0xFFFFF086;
	s6 =	sadd.s32 @!p0 s3, s7;
	s7 =	simm.s32 @!p0 $0x108  }
0x21: {  	s3 =	sadd.s32 s3, s9;
	s6 =	sadd.s32 @!p0 $0x88, s6;
	s7 =	simm.s32 @p2 $0x1082  }
0x22: {  	[simem:s7], [sflag:s8] =	dma.local @!p0 [hbm:s6], $0xF7A  }
0x23: {  	s9 =	sor.u32 $0xD0000000, s2;
	s6 =	simm.s32 $0x108;
	_ =	swait.ge @!p0 [sflag:s8], $0x0  }
0x24: {  	s3 =	sadd.s32 $0x88, s3;
	s6 =	simm.s32 @!p1 $0x1082;
	[sflag:s4] =	ssyncset.s32 $0xFFFFF086  }
0x25: {  	[simem:s6], [sflag:s4] =	dma.local [hbm:s3], $0xF7A  }
0x26: {  	[smem:$0x3F9E] =	sst s1;
	(tag) =	ssettag s2;
	_ =	strace s9  }
0x27: {  	s1 =	sld [smem:$0x3FAE]  }
0x28: {  	s2 =	sld [smem:$0x3FAF]  }
0x29: {  	s4 =	sld [smem:$0x3FB1]  }
0x2a: {  	p0 =	seq.s32 s5, $0x0;
	s5 =	sld [smem:$0x3FB2]  }
0x2b: {  	s6 =	sld [smem:$0x3FB3]  }
0x2c: {  	s7 =	sld [smem:$0x3FB4]  }
0x2d: {  	s3 =	simm.s32 $0x108;
	s8 =	sld [smem:$0x3FB5]  }
0x2e: {  	s3 =	simm.s32 @!p0 $0x1082;
	s9 =	sld [smem:$0x3FB6]  }
0x2f: {  	lr =	sadd.s32 s0, s3;
	s0 =	sld [smem:$0x3FAD]  }
0x30: {  	s3 =	sld [smem:$0x3FB0]  }
0x31: {  	[smem:$0x3FB9] =	sst s10  }
0x32: {  	s10 =	sld [smem:$0x3FB7];
	_ =	sdelay $0x3  }
0x33: {  	p0 =	seq.s32 s10, $0x1;
	s10 =	sld [smem:$0x3FB9];
	_ =	sdelay $0x3  }
0x34: {  	[smem:$0x3FB9] =	sst s10  }
0x35: {  	s10 =	sld [smem:$0x3FB8];
	_ =	sdelay $0x3  }
0x36: {  	p1 =	seq.s32 s10, $0x1;
	s10 =	sld [smem:$0x3FB9];
	_ =	sdelay $0x3  }
0x37: {  	[smem:$0x3FB9] =	sst s10  }
0x38: {  	s10 =	sld [smem:$0x3FBA]  }
0x39: {  	_ = 	snop;
	(pc) =	sbr.ind lr, $3  }
0x3a: {  	_ = 	snop  }
0x3b: {  	_ = 	snop  }
0x3c: {  	p2 =	seq.s32 s10, $0x1;
	s10 =	sld [smem:$0x3FB9]  }
0x3d: {  	_ =	shalt  }
0x3e: {  	_ =	shalt  }
0x3f: {  	_ =	shalt  }
0x40: {  	_ =	shalt  }
0x41: {  	_ =	shalt  }
0x42: {  	_ =	shalt  }
0x43: {  	_ =	shalt  }
0x44: {  	_ =	shalt  }
0x45: {  	_ =	shalt  }
0x46: {  	_ =	shalt  }
0x47: {  	_ =	shalt  }
0x48: {  	_ =	shalt  }
0x49: {  	_ =	shalt  }
0x4a: {  	_ =	shalt  }
0x4b: {  	_ =	shalt  }
0x4c: {  	_ =	shalt  }
0x4d: {  	_ =	shalt  }
0x4e: {  	_ =	shalt  }
0x4f: {  	_ =	shalt  }
0x50: {  	_ =	shalt  }
0x51: {  	_ =	shalt  }
0x52: {  	_ =	shalt  }
0x53: {  	_ =	shalt  }
0x54: {  	_ =	shalt  }
0x55: {  	_ =	shalt  }
0x56: {  	_ =	shalt  }
0x57: {  	_ =	shalt  }
0x58: {  	_ =	shalt  }
0x59: {  	_ =	shalt  }
0x5a: {  	_ =	shalt  }
0x5b: {  	_ =	shalt  }
0x5c: {  	_ =	shalt  }
0x5d: {  	_ =	shalt  }
0x5e: {  	_ =	shalt  }
0x5f: {  	_ =	shalt  }
0x60: {  	_ =	shalt  }
0x61: {  	_ =	shalt  }
0x62: {  	_ =	shalt  }
0x63: {  	_ =	shalt  }
0x64: {  	_ =	shalt  }
0x65: {  	_ =	shalt  }
0x66: {  	_ =	shalt  }
0x67: {  	_ =	shalt  }
0x68: {  	_ =	shalt  }
0x69: {  	_ =	shalt  }
0x6a: {  	_ =	shalt  }
0x6b: {  	_ =	shalt  }
0x6c: {  	_ =	shalt  }
0x6d: {  	_ =	shalt  }
0x6e: {  	_ =	shalt  }
0x6f: {  	_ =	shalt  }
0x70: {  	_ =	shalt  }
0x71: {  	_ =	shalt  }
0x72: {  	_ =	shalt  }
0x73: {  	_ =	shalt  }
0x74: {  	_ =	shalt  }
0x75: {  	_ =	shalt  }
0x76: {  	_ =	shalt  }
0x77: {  	_ =	shalt  }
0x78: {  	_ =	shalt  }
0x79: {  	_ =	shalt  }
0x7a: {  	_ =	shalt  }
0x7b: {  	_ =	shalt  }
0x7c: {  	_ =	shalt  }
0x7d: {  	_ =	shalt  }
0x7e: {  	_ =	shalt  }
0x7f: {  	_ =	shalt  }
0x80: {  	_ =	shalt  }
0x81: {  	_ =	shalt  }
0x82: {  	_ =	shalt  }
0x83: {  	_ =	shalt  }
0x84: {  	_ =	shalt  }
0x85: {  	_ =	shalt  }
0x86: {  	_ =	shalt  }
0x87: {  	_ =	shalt  }
.Lfunc_end0:
.L_simem_size_0:
called_computation_lowered:
.L_overlay_start_0:
0x88: {  	s2 =	sld [smem:$0x3FD9]  }
0x89: {  	s3 =	sld [smem:$0x3FFE];
	_ =	sdelay $0x1  }
0x8a: {  	s1 =	srdreg.scid  }
0x8b: {  	s0 =	sand.u32 $0x1, s1  }
0x8c: {  	s15 =	sshll.u32 s0, $0xA;
	s2 =	sadd.s32 s3, s2  }
0x8d: {  	s2 =	sadd.s32 s2, s15  }
0x8e: {  	[smem:$0x3FC5] =	sst s2  }
0x8f: {  	_ = 	snop  }
0x90: {  	s2 =	sld [smem:$0x3FD0];
	_ =	sdelay $0x2  }
0x91: {  	s16 =	simm.s32 $0xA;
	s4 =	simm.s32 $0x10  }
0x92: {  	[smem:s4], [sflag:s16] =	dma.local [hbm:s2], $0x1  }
0x93: {  	_ =	swait.eq [sflag:s16], $0x1  }
0x94: {  	s17 =	sld [smem:$0x10];
	[sflag:s16] =	ssyncset.done $0x0  }
0x95: {  	s18 =	sld [smem:$0x14];
	[sflag:s16] =	ssyncadd.s32 $0xFFFFFFFF  }
0x96: {  	s19 =	sld [smem:$0x15];
	(tm) =	ssettm $0x1  }
0x97: {  	s5 =	sld [smem:$0x3FFB];
	_ =	sdelay $0x3  }
0x98: {  	_ =	strace s5  }
0x99: {  	s5 =	sld [smem:$0x3FFC];
	_ =	sdelay $0x3  }
0x9a: {  	_ =	strace s5  }
0x9b: {  	s5 =	sld [smem:$0x3FFD];
	_ =	sdelay $0x3  }
0x9c: {  	_ =	strace s5  }
0x9d: {  	_ =	strace $0x8FFFFFFF  }
0x9e: {  	s20 =	sld [smem:$0x3FDB];
	_ =	sdelay $0x1  }
0x9f: {  	s6 =	simm.s32 $_scs_section_size  }
0xa0: {  	s7 =	simm.s32 $_size__tile_overlayer_lowered;
	s8 =	simm.s32 $_tile_overlayer_lowered  }
0xa1: {  	s23 =	simm.s32 $0x1BFF;
	s22 =	sshll.u32 s8, $0x1;
	s5 =	sadd.s32 s6, s20  }
0xa2: {  	s9 =	simm.s32 $0x0;
	s21 =	sshll.u32 s7, $0x1;
	s7 =	sadd.s32 s22, s5  }
0xa3: {  	[timem:s9], [sflag:s23] =	dma.local [hbm:s7], s21  }
0xa4: {  	_ =	swait.ge [sflag:s23], s21  }
0xa5: {  	s6 =	ssub.s32 $0x0, s21;
	[sflag:s23] =	ssyncset.done $0x0  }
0xa6: {  	[sflag:s23] =	ssyncadd.s32 s6;
	_ =	sdelay $0x1  }
0xa7: {  	s24 =	simm.s32 $0x1B8B  }
0xa8: {  	_ =	swait.ge [sflag:s24], $0x1  }
0xa9: {  	[sflag:s24] =	ssyncset.done $0x0  }
0xaa: {  	s25 =	simm.s32 $0x1B8E;
	[sflag:s24] =	ssyncadd.s32 $0xFFFFFFFF  }
0xab: {  	s26 =	simm.s32 $execute0_lowered;
	[smem:$0x3FD2] =	sst s25  }
0xac: {  	s6 =	sshll.u32 s26, $0x1;
	_ =	strace $0x80000046;
	[dreg:$0x1] =	wrdreg $0xFFFFFFFF  }
0xad: {  	s28 =	simm.s32 $_size_execute0_lowered;
	s5 =	sadd.s32 s5, s6;
	[dreg:$0x0] =	wrdreg $0x0  }
0xae: {  	s6 =	sshll.u32 s28, $0x1;
	[dreg:$0x2] =	wrdreg s5  }
0xaf: {  	[dreg:$0x3] =	wrdreg s6  }
0xb0: {  	[dreg:$0x4] =	wrdreg $0xC0  }
0xb1: {  	_ =	task [dreg:s9], $0x5FFFF  }
0xb2: {  	[dreg:$0x1] =	wrdreg $0xFFFFFFFF  }
0xb3: {  	[dreg:$0x0] =	wrdreg $0x60  }
0xb4: {  	[dreg:$0x2] =	wrdreg s18  }
0xb5: {  	[dreg:$0x3] =	wrdreg s19  }
0xb6: {  	[dreg:$0x4] =	wrdreg s17  }
0xb7: {  	[dreg:$0x5] =	wrdreg $0x9  }
0xb8: {  	_ =	task.clear_ibuf [dreg:s9], $0x6FFFF;
	_ =	strace $0x90000046  }
0xb9: {  	s29 =	simm.s32 $0x9;
	_ =	strace $0x80000048  }
0xba: {  	_ =	swait.ge [sflag:s29], $0x1  }
0xbb: {  	[sflag:s29] =	ssyncadd.s32 $0xFFFFFFFF  }
0xbc: {  	_ =	strace $0x90000048  }
0xbd: {  	_ =	sfence  }
0xbe: {  	s30 =	sld [smem:$0x0];
	_ =	sdelay $0x2  }
0xbf: {  	s31 =	sshll.u32 s1, $0xD;
	s1 =	sshrl.u32 s1, $0x2  }
0xc0: {  	s3 =	sand.u32 $0x4000, s31;
	s1 =	sadd.s32 s1, s30  }
0xc1: {  	s0 =	sor.u32 s3, s0;
	s1 =	sshll.u32 s1, $0x11  }
0xc2: {  	s0 =	sor.u32 s1, s0  }
0xc3: {  	s0 =	sadd.s32 $0x8F2B, s0  }
0xc4: {  	[sflag:s0] =	ssyncadd.remote.s32 $0x1  }
0xc5: {  	_ =	sfence.sel $0xFFFF  }
0xc6: {  	[dreg:$0x0] =	wrdreg $0xFFFFFFFF;
	(pc) =	sbr.abs _section_cstart, $3  }
0xc7: {  	[dreg:$0x1] =	wrdreg $0xFFFFFFFF  }
0xc8: {  	_ =	task.clear_ibuf [dreg:s9], $0x2FFFF;
	_ =	strace $0x9FFFFFFF  }
0xc9: {  	(tm) =	ssettm $0x7FFFFFFF  }
tec
execute0_lowered:
.L_overlay_start_1:
0x0: {  	(tag) =	ssettag $0x1  }
0x1: {  	s1 =	rddreg [dreg:$0x0];
	s2 =	srdreg.scid  }
0x2: {  	s8 =	rddreg [dreg:$0x1];
	s0 =	stileid.u32;
	s13 =	sand.u32 $0x1, s2  }
0x3: {  	s14 =	rddreg [dreg:$0x2];
	s4 =	sshll.u32 s0, $0xA;
	s5 =	sshll.u32 s13, $0x9  }
0x4: {  	s3 =	simm.s32 $0x0;
	s2 =	rddreg [dreg:$0x3];
	s11 =	sor.u32 s5, s4  }
0x5: {  	[smem:$0x7FF] =	sst s3;
	s4 =	sshrl.u32 s11, $0x3  }
0x6: {  	_ =	strace $0x80000047;
	s5 =	simm.s32 $0x4;
	s4 =	sadd.s32 s8, s4  }
0x7: {  	[tilespmem:s3], [sflag:$0x4] =	stream.linear.gather [hbm4b:s4+s3], $0x100, $0x38;
	[tilespmem:$0x4200] =	vst v63  }
0x8: {  	_ =	swait.ge [sflag:s5], $0x100  }
0x9: {  	s6 =	simm.s32 $0x100;
	s15 =	sor.u32 $0x100, s11;
	[sflag:s5] =	ssyncset.done $0x0  }
0xa: {  	s7 =	simm.s32 $0x200;
	s9 =	sshrl.u32 s15, $0x3;
	[sflag:s5] =	ssyncadd.s32 $0xFFFFFF00  }
0xb: {  	[tilespmem:s7], [sflag:$0x1] =	stream.indirect.gather [hbm4b:s1+s6], $0x20, s3, s6, $0xb8;
	[tilespmem:$0x4200] =	vst v63  }
0xc: {  	s8 =	sadd.s32 s8, s9  }
0xd: {  	[tilespmem:s6], [sflag:$0x4] =	stream.linear.gather [hbm4b:s8+s3], $0x100, $0x38;
	[tilespmem:$0x4200] =	vst v63  }
0xe: {  	_ =	swait.ge [sflag:s5], $0x100  }
0xf: {  	[sflag:s5] =	ssyncset.done $0x0  }
0x10: {  	s10 =	simm.s32 $0x1;
	s9 =	simm.s32 $0x2200;
	[sflag:s5] =	ssyncadd.s32 $0xFFFFFF00  }
0x11: {  	[tilespmem:s9], [sflag:$0x2] =	stream.indirect.gather [hbm4b:s1+s6], $0x20, s6, s6, $0xb8;
	[tilespmem:$0x4200] =	vst v63  }
0x12: {  	s12 =	simm.s32 $0x2;
	s16 =	ssub.s32 $0x2, s13;
	_ =	swait.ge [sflag:s10], $0x2000  }
0x13: {  	s30 =	sshrl.u32 s16, $0x1;
	s11 =	sshll.u32 s11, $0x2;
	[sflag:s10] =	ssyncset.done $0x0  }
0x14: {  	s11 =	sadd.s32 s14, s11;
	s15 =	sshll.u32 s15, $0x2;
	[sflag:s10] =	ssyncadd.s32 $0xFFFFE000  }
0x15: {  	[hbm4b:s11+s3] =	stream.linear.scatter [tilespmem:s7], [sflag:$0x3], $0x2000, $0x38;
	[tilespmem:$0x4200] =	vst v63  }
0x16: {  	s13 =	sadd.s32 s14, s15;
	s14 =	ssub.s32 s16, s30;
	_ =	swait.ge [sflag:s12], $0x2000  }
0x17: {  	s31 =	smax.u32 s14, $0x1;
	[sflag:s12] =	ssyncset.done $0x0  }
0x18: {  	p0 =	sne.s32 s31, $0x1;
	[sflag:s12] =	ssyncadd.s32 $0xFFFFE000  }
0x19: {  	[hbm4b:s13+s3] =	stream.linear.scatter [tilespmem:s9], [sflag:$0x4], $0x2000, $0x38;
	[tilespmem:$0x4200] =	vst v63  }
.Ltmp0:
0x1a: {  	_ =	swait.ge [sflag:s5], $0x2000;
	(pc) =	sbr.rel @!p0 .LBB2_2-.Ltmp0, $4  }
0x1b: {  	[sflag:s5] =	ssyncset.done $0x0  }
0x1c: {  	s14 =	simm.s32 $0x3;
	[sflag:s5] =	ssyncadd.s32 $0xFFFFE000  }
0x1d: {  	_ =	swait.ge [sflag:s14], $0x2000  }
0x1e: {  	s15 =	sadd.s32 $0xFFFFFFFF, s31;
	[sflag:s14] =	ssyncset.done $0x0  }
.LBB2_1:
0x1f: {  	p0 =	sne.s32 s15, $0x1;
	s15 =	sadd.s32 $0xFFFFFFFF, s15;
	[sflag:s14] =	ssyncadd.s32 $0xFFFFE000  }
0x20: {  	[tilespmem:s3], [sflag:$0x4] =	stream.linear.gather [hbm4b:s4+s3], $0x100, $0x38;
	[tilespmem:$0x4200] =	vst v63  }
0x21: {  	_ =	swait.ge [sflag:s5], $0x100  }
0x22: {  	[sflag:s5] =	ssyncset.done $0x0  }
0x23: {  	[sflag:s5] =	ssyncadd.s32 $0xFFFFFF00  }
0x24: {  	[tilespmem:s7], [sflag:$0x1] =	stream.indirect.gather [hbm4b:s1+s6], $0x20, s3, s6, $0xb8;
	[tilespmem:$0x4200] =	vst v63  }
0x25: {  	_ = 	snop  }
0x26: {  	[tilespmem:s6], [sflag:$0x4] =	stream.linear.gather [hbm4b:s8+s3], $0x100, $0x38;
	[tilespmem:$0x4200] =	vst v63  }
0x27: {  	_ =	swait.ge [sflag:s5], $0x100  }
0x28: {  	[sflag:s5] =	ssyncset.done $0x0  }
0x29: {  	[sflag:s5] =	ssyncadd.s32 $0xFFFFFF00  }
0x2a: {  	[tilespmem:s9], [sflag:$0x2] =	stream.indirect.gather [hbm4b:s1+s6], $0x20, s6, s6, $0xb8;
	[tilespmem:$0x4200] =	vst v63  }
0x2b: {  	_ =	swait.ge [sflag:s10], $0x2000  }
0x2c: {  	[sflag:s10] =	ssyncset.done $0x0  }
0x2d: {  	[sflag:s10] =	ssyncadd.s32 $0xFFFFE000  }
0x2e: {  	[hbm4b:s11+s3] =	stream.linear.scatter [tilespmem:s7], [sflag:$0x3], $0x2000, $0x38;
	[tilespmem:$0x4200] =	vst v63  }
0x2f: {  	_ =	swait.ge [sflag:s12], $0x2000  }
0x30: {  	[sflag:s12] =	ssyncset.done $0x0  }
0x31: {  	[sflag:s12] =	ssyncadd.s32 $0xFFFFE000  }
0x32: {  	[hbm4b:s13+s3] =	stream.linear.scatter [tilespmem:s9], [sflag:$0x4], $0x2000, $0x38;
	[tilespmem:$0x4200] =	vst v63  }
.Ltmp1:
0x33: {  	_ =	swait.ge [sflag:s5], $0x2000;
	(pc) =	sbr.rel @p0 .LBB2_1-.Ltmp1, $4  }
0x34: {  	[sflag:s5] =	ssyncset.done $0x0  }
0x35: {  	[sflag:s5] =	ssyncadd.s32 $0xFFFFE000  }
0x36: {  	_ =	swait.ge [sflag:s14], $0x2000  }
0x37: {  	[sflag:s14] =	ssyncset.done $0x0  }
.LBB2_2:
0x38: {  	[sflag:s14] =	ssyncadd.s32 $0xFFFFE000  }
0x39: {  	_ =	sfence.sel $0x180000  }
0x3a: {  	[bflag:$0x0] =	sbarrier.arrive $0xFFFF  }
0x3b: {  	p0 =	sne.s32 s0, $0x0;
	_ =	strace $0x90000047  }
0x3c: {  	s0 =	sadd.s32 @!p0 $0x100000, s2;
	[bflag:$0x2] =	sbarrier.arrive $0xFFFF  }
0x3d: {  	[sflag:s0] =	ssyncadd.tile.s32 @!p0 $0x1;
	_ =	shalt  }
.Lfunc_end2:
_tile_overlayer_lowered:
.L_overlay_start_2:
0x3e: {  	(tag) =	ssettag $0x2  }
0x3f: {  	s0 =	rddreg [dreg:$0x0];
	s2 =	stileid.u32  }
0x40: {  	s1 =	rddreg [dreg:$0x1];
	p0 =	sne.s32 s2, $0x0  }
0x41: {  	s3 =	rddreg [dreg:$0x2];
	[bflag:$0x3] =	sbarrier.arrive $0xFFFF;
	s2 =	simm.s32 @!p0 $0x1C04  }
0x42: {  	[timem:s3], [sflag:s2] =	dma.local @!p0 [hbm:s0], s1  }
0x43: {  	s0 =	simm.s32 @!p0 $0x4  }
0x44: {  	_ =	swait.ge @!p0 [sflag:s0], s1  }
0x45: {  	s1 =	ssub.s32 @!p0 $0x0, s1;
	[sflag:s0] =	ssyncset.done @!p0 $0x0  }
0x46: {  	[sflag:s0] =	ssyncadd.s32 @!p0 s1  }
0x47: {  	[bflag:$0x3] =	sbarrier.arrive $0xFFFF  }
0x48: {  	_ =	shalt  }

</sc_bundles>
